<compile_context>
chip_gen: v7x
topology: tpu7x:2x2x1
jax: 0.10.2.dev20260603
libtpu: 0.0.44.dev20260713+nightly
codegen_flags: <defaults>
</compile_context>

<pallas_src>
import functools

import jax
import jax.numpy as jnp
from jax import lax
from jax.experimental import pallas as pl
from jax.experimental.pallas import tpu as pltpu
from jax.experimental.pallas import tpu_sc as plsc

N_NODES = 10000
FEAT = 128
NPAD = 10240
TRASH = N_NODES
E = 320000
NC, NS = 2, 16
NW = NC * NS
EDGES_PER_TILE = E // NW
CHUNK = 128
CHUNKS_PER_TILE = 80
EPAD = NW * CHUNK * CHUNKS_PER_TILE
ROWS_PER_TILE = NPAD // NS
RB = 1024
GRID = NPAD // RB

_mesh = plsc.VectorSubcoreMesh(
    core_axis_name="c", subcore_axis_name="s", num_cores=NC, num_subcores=NS)


DEGW = 128


@functools.partial(
    pl.kernel,
    mesh=_mesh,
    out_type=jax.ShapeDtypeStruct((NC, NPAD, DEGW), jnp.float32),
    scratch_types=[
        pltpu.VMEM((CHUNKS_PER_TILE, CHUNK), jnp.int32),
        pltpu.VMEM((CHUNK, DEGW), jnp.float32),
        pltpu.VMEM_SHARED((NPAD, DEGW), jnp.float32),
        pltpu.SemaphoreType.DMA,
    ],
)
def _degree_kernel(dst_hbm, ones_hbm, zeros1_hbm, deg_out, dst_v, ones_v, deg_sh,
                   sem):
    c = lax.axis_index("c")
    s = lax.axis_index("s")
    wid = s * NC + c
    rs = s * ROWS_PER_TILE
    pltpu.sync_copy(zeros1_hbm, deg_sh.at[pl.ds(rs, ROWS_PER_TILE)])
    pltpu.sync_copy(ones_hbm, ones_v)
    pltpu.sync_copy(dst_hbm.at[wid], dst_v)
    plsc.subcore_barrier()

    win = 16
    for i in range(win):
        pltpu.async_copy(ones_v, deg_sh.at[dst_v.at[i]], sem, add=True)

    def body(i, carry):
        pltpu.make_async_copy(ones_v, deg_sh.at[dst_v.at[i]], sem).wait()
        pltpu.async_copy(ones_v, deg_sh.at[dst_v.at[i + win]], sem, add=True)
        return carry

    lax.fori_loop(0, CHUNKS_PER_TILE - win, body, 0)

    def drain(i, carry):
        pltpu.make_async_copy(ones_v, deg_sh.at[dst_v.at[i]], sem).wait()
        return carry

    lax.fori_loop(CHUNKS_PER_TILE - win, CHUNKS_PER_TILE, drain, 0)
    plsc.subcore_barrier()
    pltpu.sync_copy(deg_sh.at[pl.ds(rs, ROWS_PER_TILE)],
                    deg_out.at[c, pl.ds(rs, ROWS_PER_TILE)])


NBUF = 2
NROUNDS = CHUNKS_PER_TILE // NBUF


@functools.partial(
    pl.kernel,
    mesh=_mesh,
    out_type=jax.ShapeDtypeStruct((NC, NPAD, FEAT), jnp.float32),
    scratch_types=[
        pltpu.VMEM((CHUNKS_PER_TILE, CHUNK), jnp.int32),
        pltpu.VMEM((CHUNK,), jnp.int32),
        pltpu.VMEM((CHUNK,), jnp.int32),
        pltpu.VMEM((CHUNK, FEAT), jnp.float32),
        pltpu.VMEM((CHUNK, FEAT), jnp.float32),
        pltpu.VMEM_SHARED((NPAD, FEAT), jnp.float32),
        pltpu.SemaphoreType.DMA,
        pltpu.SemaphoreType.DMA,
        pltpu.SemaphoreType.DMA,
        pltpu.SemaphoreType.DMA,
    ],
)
def _aggregate_kernel(hs_hbm, src_hbm, dst_hbm, zeros2_hbm, acc_out,
                      src_v, dstb0, dstb1, rows0, rows1, acc_sh,
                      dsem0, dsem1, gsem0, gsem1):
    dstb = (dstb0, dstb1)
    rows = (rows0, rows1)
    dsems = (dsem0, dsem1)
    gsems = (gsem0, gsem1)
    c = lax.axis_index("c")
    s = lax.axis_index("s")
    wid = s * NC + c
    rs = s * ROWS_PER_TILE
    pltpu.sync_copy(zeros2_hbm, acc_sh.at[pl.ds(rs, ROWS_PER_TILE)])
    pltpu.sync_copy(src_hbm.at[wid], src_v)
    plsc.subcore_barrier()

    for b in range(NBUF):
        pltpu.async_copy(dst_hbm.at[wid, b], dstb[b], dsems[b])
        pltpu.async_copy(hs_hbm.at[src_v.at[b]], rows[b], gsems[b])

    def round_body(g, carry):
        for b in range(NBUF):
            i = g * NBUF + b
            pltpu.make_async_copy(dst_hbm.at[wid, i], dstb[b],
                                  dsems[b]).wait()
            pltpu.make_async_copy(hs_hbm.at[src_v.at[i]], rows[b],
                                  gsems[b]).wait()
            pltpu.sync_copy(rows[b], acc_sh.at[dstb[b]], add=True)
            pltpu.async_copy(dst_hbm.at[wid, i + NBUF], dstb[b], dsems[b])
            pltpu.async_copy(hs_hbm.at[src_v.at[i + NBUF]], rows[b],
                             gsems[b])
        return carry

    lax.fori_loop(0, NROUNDS - 1, round_body, 0)
    for b in range(NBUF):
        i = (NROUNDS - 1) * NBUF + b
        pltpu.make_async_copy(dst_hbm.at[wid, i], dstb[b], dsems[b]).wait()
        pltpu.make_async_copy(hs_hbm.at[src_v.at[i]], rows[b],
                              gsems[b]).wait()
        pltpu.sync_copy(rows[b], acc_sh.at[dstb[b]], add=True)
    plsc.subcore_barrier()
    pltpu.sync_copy(acc_sh.at[pl.ds(rs, ROWS_PER_TILE)],
                    acc_out.at[c, pl.ds(rs, ROWS_PER_TILE)])


DINVW = 8


def _mm0_body(x_ref, w_ref, h_ref):
    h_ref[...] = jnp.dot(x_ref[...], w_ref[...],
                         preferred_element_type=jnp.float32)


def _scale_body(deg_ref, h_ref, hs_ref, dinv_ref):
    deg = deg_ref[0, :, 0:1] + deg_ref[1, :, 0:1] + 1.0
    dinv = lax.rsqrt(deg)
    hs_ref[...] = h_ref[...] * dinv
    dinv_ref[...] = jnp.broadcast_to(dinv, (RB, DINVW))


def _mid_body(acc_ref, hs_ref, dinv_ref, b_ref, w_ref, hs2_ref):
    dinv = dinv_ref[:, 0:1]
    pre = (acc_ref[0] + acc_ref[1] + hs_ref[...]) * dinv + b_ref[...]
    o = jnp.maximum(pre, 0.0)
    hs2_ref[...] = jnp.dot(o, w_ref[...], preferred_element_type=jnp.float32) * dinv


def _final_body(acc_ref, hs_ref, dinv_ref, b_ref, out_ref):
    out_ref[...] = ((acc_ref[0] + acc_ref[1] + hs_ref[...]) * dinv_ref[:, 0:1]
                    + b_ref[...])


def kernel(x, edge_index, W1, b1, W2, b2):
    src = edge_index[0].astype(jnp.int32)
    dst = edge_index[1].astype(jnp.int32)
    n_pad_e = EPAD - E
    pad_iota = jnp.arange(n_pad_e, dtype=jnp.int32)
    pad_src = pad_iota % N_NODES
    pad_dst = N_NODES + pad_iota % (NPAD - N_NODES)
    srcp = jnp.concatenate([src, pad_src]).reshape(NW, CHUNKS_PER_TILE, CHUNK)
    dstp = jnp.concatenate([dst, pad_dst]).reshape(NW, CHUNKS_PER_TILE, CHUNK)
    xp = jnp.pad(x, ((0, NPAD - N_NODES), (0, 0)))
    zeros1 = jnp.zeros((ROWS_PER_TILE, DEGW), jnp.float32)
    zeros2 = jnp.zeros((ROWS_PER_TILE, FEAT), jnp.float32)
    ones1 = jnp.ones((CHUNK, DEGW), jnp.float32)
    b1r = b1.reshape(1, FEAT)
    b2r = b2.reshape(1, FEAT)

    deg_p = _degree_kernel(dstp, ones1, zeros1)

    h1 = pl.pallas_call(
        _mm0_body,
        grid=(GRID,),
        in_specs=[
            pl.BlockSpec((RB, FEAT), lambda i: (i, 0)),
            pl.BlockSpec((FEAT, FEAT), lambda i: (0, 0)),
        ],
        out_specs=pl.BlockSpec((RB, FEAT), lambda i: (i, 0)),
        out_shape=jax.ShapeDtypeStruct((NPAD, FEAT), jnp.float32),
    )(xp, W1)

    hs1, dinv = pl.pallas_call(
        _scale_body,
        grid=(GRID,),
        in_specs=[
            pl.BlockSpec((NC, RB, DEGW), lambda i: (0, i, 0)),
            pl.BlockSpec((RB, FEAT), lambda i: (i, 0)),
        ],
        out_specs=[
            pl.BlockSpec((RB, FEAT), lambda i: (i, 0)),
            pl.BlockSpec((RB, DINVW), lambda i: (i, 0)),
        ],
        out_shape=[
            jax.ShapeDtypeStruct((NPAD, FEAT), jnp.float32),
            jax.ShapeDtypeStruct((NPAD, DINVW), jnp.float32),
        ],
    )(deg_p, h1)

    acc1 = _aggregate_kernel(hs1, srcp, dstp, zeros2)

    hs2 = pl.pallas_call(
        _mid_body,
        grid=(GRID,),
        in_specs=[
            pl.BlockSpec((NC, RB, FEAT), lambda i: (0, i, 0)),
            pl.BlockSpec((RB, FEAT), lambda i: (i, 0)),
            pl.BlockSpec((RB, DINVW), lambda i: (i, 0)),
            pl.BlockSpec((1, FEAT), lambda i: (0, 0)),
            pl.BlockSpec((FEAT, FEAT), lambda i: (0, 0)),
        ],
        out_specs=pl.BlockSpec((RB, FEAT), lambda i: (i, 0)),
        out_shape=jax.ShapeDtypeStruct((NPAD, FEAT), jnp.float32),
    )(acc1, hs1, dinv, b1r, W2)

    acc2 = _aggregate_kernel(hs2, srcp, dstp, zeros2)

    RBF = 1000
    out = pl.pallas_call(
        _final_body,
        grid=(N_NODES // RBF,),
        in_specs=[
            pl.BlockSpec((NC, RBF, FEAT), lambda i: (0, i, 0)),
            pl.BlockSpec((RBF, FEAT), lambda i: (i, 0)),
            pl.BlockSpec((RBF, DINVW), lambda i: (i, 0)),
            pl.BlockSpec((1, FEAT), lambda i: (0, 0)),
        ],
        out_specs=pl.BlockSpec((RBF, FEAT), lambda i: (i, 0)),
        out_shape=jax.ShapeDtypeStruct((N_NODES, FEAT), jnp.float32),
    )(acc2, hs2, dinv, b2r)

    return out

# --- scband reference (transcript-rebuilt; emitter-appended) ---
"""Pipeline reference for scband-gcn-24919400251509 (READ-ONLY COPY).

The authoritative reference and input builder live on the scoring server;
editing this copy changes nothing except your own understanding.
"""

import jax, jax.numpy as jnp
import numpy as np

N_NODES = 10000
M = 128
HIDDEN = 128
M_Y = 128
E = 320000


def gcn_conv(x, edge_index, W, b, n_nodes):
    # PyG-style GCNConv: add self-loops, symmetric deg^-1/2 normalization,
    # linear transform, scatter-add aggregation, bias.
    src = edge_index[0]
    dst = edge_index[1]
    loop = jnp.arange(n_nodes, dtype=src.dtype)
    src = jnp.concatenate([src, loop])
    dst = jnp.concatenate([dst, loop])
    deg = jnp.zeros((n_nodes,), dtype=x.dtype).at[dst].add(1.0)
    dinv = jnp.where(deg > 0, jax.lax.rsqrt(jnp.maximum(deg, 1e-12)), 0.0)
    norm = dinv[src] * dinv[dst]
    h = x @ W
    msg = h[src] * norm[:, None]
    out = jnp.zeros((n_nodes, W.shape[1]), dtype=x.dtype).at[dst].add(msg)
    return out + b


def setup_inputs(seed: int = 0) -> dict:
    key = jax.random.key(seed)
    k1, k2, k3, k4, k5, k6 = jax.random.split(key, 6)
    x = jax.random.normal(k1, (N_NODES, M), dtype=jnp.float32)
    edge_index = jax.random.randint(k2, (2, E), 0, N_NODES, dtype=jnp.int64)
    W1 = jax.random.normal(k3, (M, HIDDEN), dtype=jnp.float32) * (1.0 / np.sqrt(M))
    b1 = jnp.zeros((HIDDEN,), dtype=jnp.float32)
    W2 = jax.random.normal(k4, (HIDDEN, M_Y), dtype=jnp.float32) * (1.0 / np.sqrt(HIDDEN))
    b2 = jnp.zeros((M_Y,), dtype=jnp.float32)
    return {"x": x, "edge_index": edge_index, "W1": W1, "b1": b1, "W2": W2, "b2": b2}


def reference(x, edge_index, W1, b1, W2, b2):
    # GCN.forward (eval mode: dropout is identity)
    out = gcn_conv(x, edge_index, W1, b1, N_NODES)
    out = jax.nn.relu(out)
    out = gcn_conv(out, edge_index, W2, b2, N_NODES)
    return out

if __name__ == "__main__":
    import jax
    _d = setup_inputs()
    print(jax.jit(kernel)(*tuple(_d.values())))

</pallas_src>

<mosaic_0001>
#map = affine_map<(d0, d1) -> (0, 0)>
#map1 = affine_map<(d0, d1) -> (0, 0, 0)>
module attributes {stable_mosaic.version = 14 : i64} {
  func.func @_aggregate_kernel(%arg0: i32, %arg1: i32, %arg2: memref<10240x128xf32, #tpu.memory_space<hbm>>, %arg3: memref<32x80x128xi32, #tpu.memory_space<hbm>>, %arg4: memref<32x80x128xi32, #tpu.memory_space<hbm>>, %arg5: memref<640x128xf32, #tpu.memory_space<hbm>>, %arg6: memref<2x10240x128xf32, #tpu.memory_space<hbm>>, %arg7: memref<80x128xi32, #tpu.memory_space<vmem>>, %arg8: memref<128xi32, #tpu.memory_space<vmem>>, %arg9: memref<128xi32, #tpu.memory_space<vmem>>, %arg10: memref<128x128xf32, #tpu.memory_space<vmem>>, %arg11: memref<128x128xf32, #tpu.memory_space<vmem>>, %arg12: memref<10240x128xf32, #tpu.memory_space<vmem_shared>>, %arg13: memref<!tpu.dma_semaphore, #tpu.memory_space<semaphore_mem>>, %arg14: memref<!tpu.dma_semaphore, #tpu.memory_space<semaphore_mem>>, %arg15: memref<!tpu.dma_semaphore, #tpu.memory_space<semaphore_mem>>, %arg16: memref<!tpu.dma_semaphore, #tpu.memory_space<semaphore_mem>>) attributes {dimension_semantics = [#tpu.dimension_semantics<core_parallel>, #tpu.dimension_semantics<subcore_parallel>], iteration_bounds = array<i64: 2, 16>, scalar_prefetch = 0 : i64, scratch_operands = 10 : i64, tpu.core_type = #tpu.core_type<sc_vector_subcore>, window_params = [{transform_indices = #map}, {transform_indices = #map1}, {transform_indices = #map1}, {transform_indices = #map}, {transform_indices = #map1}]} {
    %mul3A = arith.constant 2 : i32
    %mul3A_0 = arith.muli %arg1, %mul3A : i32
    %add3A = arith.addi %mul3A_0, %arg0 : i32
    %mul3A_1 = arith.constant 640 : i32
    %mul3A_2 = arith.muli %arg1, %mul3A_1 : i32
    "tpu.region"() ({
      %run_scoped3A = tpu.sem_alloc : memref<!tpu.dma_semaphore, #tpu.memory_space<semaphore_mem>>
      %dma_start3A_63 = arith.constant 0 : i32
      %dma_start3A_64 = tpu.memref_slice %arg12[%mul3A_2, %dma_start3A_63] : memref<10240x128xf32, #tpu.memory_space<vmem_shared>> -> memref<640x128xf32, #tpu.memory_space<vmem_shared>>
      tpu.enqueue_dma source(%arg5 : memref<640x128xf32, #tpu.memory_space<hbm>>) target(%dma_start3A_64 : memref<640x128xf32, #tpu.memory_space<vmem_shared>>) target_semaphore(%run_scoped3A : memref<!tpu.dma_semaphore, #tpu.memory_space<semaphore_mem>>)
      %dma_wait3A_65 = arith.constant 0 : i32
      %dma_wait3A_66 = tpu.memref_slice %arg12[%mul3A_2, %dma_wait3A_65] : memref<10240x128xf32, #tpu.memory_space<vmem_shared>> -> memref<640x128xf32, #tpu.memory_space<vmem_shared>>
      tpu.wait_dma2 semaphore(%run_scoped3A : memref<!tpu.dma_semaphore, #tpu.memory_space<semaphore_mem>>) src(%arg5 : memref<640x128xf32, #tpu.memory_space<hbm>>) dst(%dma_wait3A_66 : memref<640x128xf32, #tpu.memory_space<vmem_shared>>)
      tpu.yield
    }) : () -> ()
    "tpu.region"() ({
      %run_scoped3A = tpu.sem_alloc : memref<!tpu.dma_semaphore, #tpu.memory_space<semaphore_mem>>
      %dma_start3A_63 = arith.constant 0 : i32
      %dma_start3A_64 = arith.constant 0 : i32
      %dma_start3A_65 = tpu.memref_slice %arg3[%add3A, %dma_start3A_63, %dma_start3A_64] : memref<32x80x128xi32, #tpu.memory_space<hbm>> -> memref<1x80x128xi32, #tpu.memory_space<hbm>>
      %dma_start3A_66 = tpu.memref_squeeze %dma_start3A_65 : memref<1x80x128xi32, #tpu.memory_space<hbm>> -> memref<80x128xi32, #tpu.memory_space<hbm>>
      %dma_start3A_67 = arith.constant 0 : i32
      %dma_start3A_68 = arith.constant 0 : i32
      %dma_start3A_69 = tpu.memref_slice %arg3[%add3A, %dma_start3A_67, %dma_start3A_68] : memref<32x80x128xi32, #tpu.memory_space<hbm>> -> memref<1x80x128xi32, #tpu.memory_space<hbm>>
      %dma_start3A_70 = tpu.memref_squeeze %dma_start3A_69 : memref<1x80x128xi32, #tpu.memory_space<hbm>> -> memref<80x128xi32, #tpu.memory_space<hbm>>
      tpu.enqueue_dma source(%dma_start3A_70 : memref<80x128xi32, #tpu.memory_space<hbm>>) target(%arg7 : memref<80x128xi32, #tpu.memory_space<vmem>>) target_semaphore(%run_scoped3A : memref<!tpu.dma_semaphore, #tpu.memory_space<semaphore_mem>>)
      %dma_wait3A_71 = arith.constant 0 : i32
      %dma_wait3A_72 = arith.constant 0 : i32
      %dma_wait3A_73 = tpu.memref_slice %arg3[%add3A, %dma_wait3A_71, %dma_wait3A_72] : memref<32x80x128xi32, #tpu.memory_space<hbm>> -> memref<1x80x128xi32, #tpu.memory_space<hbm>>
      %dma_wait3A_74 = tpu.memref_squeeze %dma_wait3A_73 : memref<1x80x128xi32, #tpu.memory_space<hbm>> -> memref<80x128xi32, #tpu.memory_space<hbm>>
      %dma_wait3A_75 = arith.constant 0 : i32
      %dma_wait3A_76 = arith.constant 0 : i32
      %dma_wait3A_77 = tpu.memref_slice %arg3[%add3A, %dma_wait3A_75, %dma_wait3A_76] : memref<32x80x128xi32, #tpu.memory_space<hbm>> -> memref<1x80x128xi32, #tpu.memory_space<hbm>>
      %dma_wait3A_78 = tpu.memref_squeeze %dma_wait3A_77 : memref<1x80x128xi32, #tpu.memory_space<hbm>> -> memref<80x128xi32, #tpu.memory_space<hbm>>
      tpu.wait_dma2 semaphore(%run_scoped3A : memref<!tpu.dma_semaphore, #tpu.memory_space<semaphore_mem>>) src(%dma_wait3A_78 : memref<80x128xi32, #tpu.memory_space<hbm>>) dst(%arg7 : memref<80x128xi32, #tpu.memory_space<vmem>>)
      tpu.yield
    }) : () -> ()
    %barrier3A = arith.constant 0 : index
    tpu.barrier barrier_id(%barrier3A)
    %dma_start3A = arith.constant 0 : i32
    %dma_start3A_3 = arith.constant 0 : i32
    %dma_start3A_4 = tpu.memref_slice %arg4[%add3A, %dma_start3A, %dma_start3A_3] : memref<32x80x128xi32, #tpu.memory_space<hbm>> -> memref<1x1x128xi32, #tpu.memory_space<hbm>>
    %dma_start3A_5 = tpu.memref_squeeze %dma_start3A_4 : memref<1x1x128xi32, #tpu.memory_space<hbm>> -> memref<128xi32, #tpu.memory_space<hbm>>
    %dma_start3A_6 = arith.constant 0 : i32
    %dma_start3A_7 = tpu.memref_slice %arg4[%add3A, %dma_start3A, %dma_start3A_6] : memref<32x80x128xi32, #tpu.memory_space<hbm>> -> memref<1x1x128xi32, #tpu.memory_space<hbm>>
    %dma_start3A_8 = tpu.memref_squeeze %dma_start3A_7 : memref<1x1x128xi32, #tpu.memory_space<hbm>> -> memref<128xi32, #tpu.memory_space<hbm>>
    tpu.enqueue_dma source(%dma_start3A_8 : memref<128xi32, #tpu.memory_space<hbm>>) target(%arg8 : memref<128xi32, #tpu.memory_space<vmem>>) target_semaphore(%arg13 : memref<!tpu.dma_semaphore, #tpu.memory_space<semaphore_mem>>)
    %dma_start3A_9 = arith.constant 0 : i32
    %dma_start3A_10 = arith.constant 0 : i32
    %dma_start3A_11 = tpu.memref_slice %arg7[%dma_start3A_9, %dma_start3A_10] : memref<80x128xi32, #tpu.memory_space<vmem>> -> memref<1x128xi32, #tpu.memory_space<vmem>>
    %dma_start3A_12 = tpu.memref_squeeze %dma_start3A_11 : memref<1x128xi32, #tpu.memory_space<vmem>> -> memref<128xi32, #tpu.memory_space<vmem>>
    %dma_start3A_13 = arith.constant 0 : i32
    %dma_start3A_14 = arith.constant 0 : i32
    %dma_start3A_15 = tpu.memref_slice %arg2[%dma_start3A_13, %dma_start3A_14] : memref<10240x128xf32, #tpu.memory_space<hbm>> -> memref<10240x128xf32, #tpu.memory_space<hbm>>
    tpu.enqueue_indirect_dma source(%dma_start3A_15 : memref<10240x128xf32, #tpu.memory_space<hbm>>) target(%arg10 : memref<128x128xf32, #tpu.memory_space<vmem>>) offsets(%dma_start3A_12 : memref<128xi32, #tpu.memory_space<vmem>>) semaphore(%arg15 : memref<!tpu.dma_semaphore, #tpu.memory_space<semaphore_mem>>)
    %dma_start3A_16 = arith.constant 1 : i32
    %dma_start3A_17 = arith.constant 0 : i32
    %dma_start3A_18 = tpu.memref_slice %arg4[%add3A, %dma_start3A_16, %dma_start3A_17] : memref<32x80x128xi32, #tpu.memory_space<hbm>> -> memref<1x1x128xi32, #tpu.memory_space<hbm>>
    %dma_start3A_19 = tpu.memref_squeeze %dma_start3A_18 : memref<1x1x128xi32, #tpu.memory_space<hbm>> -> memref<128xi32, #tpu.memory_space<hbm>>
    %dma_start3A_20 = arith.constant 0 : i32
    %dma_start3A_21 = tpu.memref_slice %arg4[%add3A, %dma_start3A_16, %dma_start3A_20] : memref<32x80x128xi32, #tpu.memory_space<hbm>> -> memref<1x1x128xi32, #tpu.memory_space<hbm>>
    %dma_start3A_22 = tpu.memref_squeeze %dma_start3A_21 : memref<1x1x128xi32, #tpu.memory_space<hbm>> -> memref<128xi32, #tpu.memory_space<hbm>>
    tpu.enqueue_dma source(%dma_start3A_22 : memref<128xi32, #tpu.memory_space<hbm>>) target(%arg9 : memref<128xi32, #tpu.memory_space<vmem>>) target_semaphore(%arg14 : memref<!tpu.dma_semaphore, #tpu.memory_space<semaphore_mem>>)
    %dma_start3A_23 = arith.constant 1 : i32
    %dma_start3A_24 = arith.constant 0 : i32
    %dma_start3A_25 = tpu.memref_slice %arg7[%dma_start3A_23, %dma_start3A_24] : memref<80x128xi32, #tpu.memory_space<vmem>> -> memref<1x128xi32, #tpu.memory_space<vmem>>
    %dma_start3A_26 = tpu.memref_squeeze %dma_start3A_25 : memref<1x128xi32, #tpu.memory_space<vmem>> -> memref<128xi32, #tpu.memory_space<vmem>>
    %dma_start3A_27 = arith.constant 0 : i32
    %dma_start3A_28 = arith.constant 0 : i32
    %dma_start3A_29 = tpu.memref_slice %arg2[%dma_start3A_27, %dma_start3A_28] : memref<10240x128xf32, #tpu.memory_space<hbm>> -> memref<10240x128xf32, #tpu.memory_space<hbm>>
    tpu.enqueue_indirect_dma source(%dma_start3A_29 : memref<10240x128xf32, #tpu.memory_space<hbm>>) target(%arg11 : memref<128x128xf32, #tpu.memory_space<vmem>>) offsets(%dma_start3A_26 : memref<128xi32, #tpu.memory_space<vmem>>) semaphore(%arg16 : memref<!tpu.dma_semaphore, #tpu.memory_space<semaphore_mem>>)
    %scan3A = arith.constant 0 : i32
    %scan3A_30 = arith.constant 0 : i32
    %scan3A_31 = arith.constant 39 : i32
    %scan3A_32 = arith.addi %scan3A_30, %scan3A_31 : i32
    %scan3A_33 = arith.constant 1 : i32
    scf.for %scan3A_63 = %scan3A_30 to %scan3A_32 step %scan3A_33  : i32 {
      %mul3A_64 = arith.constant 2 : i32
      %mul3A_65 = arith.muli %scan3A_63, %mul3A_64 : i32
      %add3A_66 = arith.constant 0 : i32
      %add3A_67 = arith.addi %mul3A_65, %add3A_66 : i32
      %dma_wait3A_68 = arith.constant 0 : i32
      %dma_wait3A_69 = tpu.memref_slice %arg4[%add3A, %add3A_67, %dma_wait3A_68] : memref<32x80x128xi32, #tpu.memory_space<hbm>> -> memref<1x1x128xi32, #tpu.memory_space<hbm>>
      %dma_wait3A_70 = tpu.memref_squeeze %dma_wait3A_69 : memref<1x1x128xi32, #tpu.memory_space<hbm>> -> memref<128xi32, #tpu.memory_space<hbm>>
      %dma_wait3A_71 = arith.constant 0 : i32
      %dma_wait3A_72 = tpu.memref_slice %arg4[%add3A, %add3A_67, %dma_wait3A_71] : memref<32x80x128xi32, #tpu.memory_space<hbm>> -> memref<1x1x128xi32, #tpu.memory_space<hbm>>
      %dma_wait3A_73 = tpu.memref_squeeze %dma_wait3A_72 : memref<1x1x128xi32, #tpu.memory_space<hbm>> -> memref<128xi32, #tpu.memory_space<hbm>>
      tpu.wait_dma2 semaphore(%arg13 : memref<!tpu.dma_semaphore, #tpu.memory_space<semaphore_mem>>) src(%dma_wait3A_73 : memref<128xi32, #tpu.memory_space<hbm>>) dst(%arg8 : memref<128xi32, #tpu.memory_space<vmem>>)
      %dma_wait3A_74 = arith.constant 0 : i32
      %dma_wait3A_75 = tpu.memref_slice %arg7[%add3A_67, %dma_wait3A_74] : memref<80x128xi32, #tpu.memory_space<vmem>> -> memref<1x128xi32, #tpu.memory_space<vmem>>
      %dma_wait3A_76 = tpu.memref_squeeze %dma_wait3A_75 : memref<1x128xi32, #tpu.memory_space<vmem>> -> memref<128xi32, #tpu.memory_space<vmem>>
      %dma_wait3A_77 = arith.constant 0 : i32
      %dma_wait3A_78 = arith.constant 0 : i32
      %dma_wait3A_79 = tpu.memref_slice %arg2[%dma_wait3A_77, %dma_wait3A_78] : memref<10240x128xf32, #tpu.memory_space<hbm>> -> memref<10240x128xf32, #tpu.memory_space<hbm>>
      tpu.wait_indirect_dma semaphore(%arg15 : memref<!tpu.dma_semaphore, #tpu.memory_space<semaphore_mem>>) src(%dma_wait3A_79 : memref<10240x128xf32, #tpu.memory_space<hbm>>) dst(%arg10 : memref<128x128xf32, #tpu.memory_space<vmem>>)
      "tpu.region"() ({
        %run_scoped3A = tpu.sem_alloc : memref<!tpu.dma_semaphore, #tpu.memory_space<semaphore_mem>>
        %dma_start3A_128 = arith.constant 0 : i32
        %dma_start3A_129 = arith.constant 0 : i32
        %dma_start3A_130 = tpu.memref_slice %arg12[%dma_start3A_128, %dma_start3A_129] : memref<10240x128xf32, #tpu.memory_space<vmem_shared>> -> memref<10240x128xf32, #tpu.memory_space<vmem_shared>>
        tpu.enqueue_indirect_dma source(%arg10 : memref<128x128xf32, #tpu.memory_space<vmem>>) target(%dma_start3A_130 : memref<10240x128xf32, #tpu.memory_space<vmem_shared>>) offsets(%arg8 : memref<128xi32, #tpu.memory_space<vmem>>) semaphore(%run_scoped3A : memref<!tpu.dma_semaphore, #tpu.memory_space<semaphore_mem>>) {add = true}
        %dma_wait3A_131 = arith.constant 0 : i32
        %dma_wait3A_132 = arith.constant 0 : i32
        %dma_wait3A_133 = tpu.memref_slice %arg12[%dma_wait3A_131, %dma_wait3A_132] : memref<10240x128xf32, #tpu.memory_space<vmem_shared>> -> memref<10240x128xf32, #tpu.memory_space<vmem_shared>>
        tpu.wait_indirect_dma semaphore(%run_scoped3A : memref<!tpu.dma_semaphore, #tpu.memory_space<semaphore_mem>>) src(%arg10 : memref<128x128xf32, #tpu.memory_space<vmem>>) dst(%dma_wait3A_133 : memref<10240x128xf32, #tpu.memory_space<vmem_shared>>)
        tpu.yield
      }) : () -> ()
      %add3A_80 = arith.constant 2 : i32
      %add3A_81 = arith.addi %add3A_67, %add3A_80 : i32
      %dma_start3A_82 = arith.constant 0 : i32
      %dma_start3A_83 = tpu.memref_slice %arg4[%add3A, %add3A_81, %dma_start3A_82] : memref<32x80x128xi32, #tpu.memory_space<hbm>> -> memref<1x1x128xi32, #tpu.memory_space<hbm>>
      %dma_start3A_84 = tpu.memref_squeeze %dma_start3A_83 : memref<1x1x128xi32, #tpu.memory_space<hbm>> -> memref<128xi32, #tpu.memory_space<hbm>>
      %dma_start3A_85 = arith.constant 0 : i32
      %dma_start3A_86 = tpu.memref_slice %arg4[%add3A, %add3A_81, %dma_start3A_85] : memref<32x80x128xi32, #tpu.memory_space<hbm>> -> memref<1x1x128xi32, #tpu.memory_space<hbm>>
      %dma_start3A_87 = tpu.memref_squeeze %dma_start3A_86 : memref<1x1x128xi32, #tpu.memory_space<hbm>> -> memref<128xi32, #tpu.memory_space<hbm>>
      tpu.enqueue_dma source(%dma_start3A_87 : memref<128xi32, #tpu.memory_space<hbm>>) target(%arg8 : memref<128xi32, #tpu.memory_space<vmem>>) target_semaphore(%arg13 : memref<!tpu.dma_semaphore, #tpu.memory_space<semaphore_mem>>)
      %add3A_88 = arith.constant 2 : i32
      %add3A_89 = arith.addi %add3A_67, %add3A_88 : i32
      %dma_start3A_90 = arith.constant 0 : i32
      %dma_start3A_91 = tpu.memref_slice %arg7[%add3A_89, %dma_start3A_90] : memref<80x128xi32, #tpu.memory_space<vmem>> -> memref<1x128xi32, #tpu.memory_space<vmem>>
      %dma_start3A_92 = tpu.memref_squeeze %dma_start3A_91 : memref<1x128xi32, #tpu.memory_space<vmem>> -> memref<128xi32, #tpu.memory_space<vmem>>
      %dma_start3A_93 = arith.constant 0 : i32
      %dma_start3A_94 = arith.constant 0 : i32
      %dma_start3A_95 = tpu.memref_slice %arg2[%dma_start3A_93, %dma_start3A_94] : memref<10240x128xf32, #tpu.memory_space<hbm>> -> memref<10240x128xf32, #tpu.memory_space<hbm>>
      tpu.enqueue_indirect_dma source(%dma_start3A_95 : memref<10240x128xf32, #tpu.memory_space<hbm>>) target(%arg10 : memref<128x128xf32, #tpu.memory_space<vmem>>) offsets(%dma_start3A_92 : memref<128xi32, #tpu.memory_space<vmem>>) semaphore(%arg15 : memref<!tpu.dma_semaphore, #tpu.memory_space<semaphore_mem>>)
      %mul3A_96 = arith.constant 2 : i32
      %mul3A_97 = arith.muli %scan3A_63, %mul3A_96 : i32
      %add3A_98 = arith.constant 1 : i32
      %add3A_99 = arith.addi %mul3A_97, %add3A_98 : i32
      %dma_wait3A_100 = arith.constant 0 : i32
      %dma_wait3A_101 = tpu.memref_slice %arg4[%add3A, %add3A_99, %dma_wait3A_100] : memref<32x80x128xi32, #tpu.memory_space<hbm>> -> memref<1x1x128xi32, #tpu.memory_space<hbm>>
      %dma_wait3A_102 = tpu.memref_squeeze %dma_wait3A_101 : memref<1x1x128xi32, #tpu.memory_space<hbm>> -> memref<128xi32, #tpu.memory_space<hbm>>
      %dma_wait3A_103 = arith.constant 0 : i32
      %dma_wait3A_104 = tpu.memref_slice %arg4[%add3A, %add3A_99, %dma_wait3A_103] : memref<32x80x128xi32, #tpu.memory_space<hbm>> -> memref<1x1x128xi32, #tpu.memory_space<hbm>>
      %dma_wait3A_105 = tpu.memref_squeeze %dma_wait3A_104 : memref<1x1x128xi32, #tpu.memory_space<hbm>> -> memref<128xi32, #tpu.memory_space<hbm>>
      tpu.wait_dma2 semaphore(%arg14 : memref<!tpu.dma_semaphore, #tpu.memory_space<semaphore_mem>>) src(%dma_wait3A_105 : memref<128xi32, #tpu.memory_space<hbm>>) dst(%arg9 : memref<128xi32, #tpu.memory_space<vmem>>)
      %dma_wait3A_106 = arith.constant 0 : i32
      %dma_wait3A_107 = tpu.memref_slice %arg7[%add3A_99, %dma_wait3A_106] : memref<80x128xi32, #tpu.memory_space<vmem>> -> memref<1x128xi32, #tpu.memory_space<vmem>>
      %dma_wait3A_108 = tpu.memref_squeeze %dma_wait3A_107 : memref<1x128xi32, #tpu.memory_space<vmem>> -> memref<128xi32, #tpu.memory_space<vmem>>
      %dma_wait3A_109 = arith.constant 0 : i32
      %dma_wait3A_110 = arith.constant 0 : i32
      %dma_wait3A_111 = tpu.memref_slice %arg2[%dma_wait3A_109, %dma_wait3A_110] : memref<10240x128xf32, #tpu.memory_space<hbm>> -> memref<10240x128xf32, #tpu.memory_space<hbm>>
      tpu.wait_indirect_dma semaphore(%arg16 : memref<!tpu.dma_semaphore, #tpu.memory_space<semaphore_mem>>) src(%dma_wait3A_111 : memref<10240x128xf32, #tpu.memory_space<hbm>>) dst(%arg11 : memref<128x128xf32, #tpu.memory_space<vmem>>)
      "tpu.region"() ({
        %run_scoped3A = tpu.sem_alloc : memref<!tpu.dma_semaphore, #tpu.memory_space<semaphore_mem>>
        %dma_start3A_128 = arith.constant 0 : i32
        %dma_start3A_129 = arith.constant 0 : i32
        %dma_start3A_130 = tpu.memref_slice %arg12[%dma_start3A_128, %dma_start3A_129] : memref<10240x128xf32, #tpu.memory_space<vmem_shared>> -> memref<10240x128xf32, #tpu.memory_space<vmem_shared>>
        tpu.enqueue_indirect_dma source(%arg11 : memref<128x128xf32, #tpu.memory_space<vmem>>) target(%dma_start3A_130 : memref<10240x128xf32, #tpu.memory_space<vmem_shared>>) offsets(%arg9 : memref<128xi32, #tpu.memory_space<vmem>>) semaphore(%run_scoped3A : memref<!tpu.dma_semaphore, #tpu.memory_space<semaphore_mem>>) {add = true}
        %dma_wait3A_131 = arith.constant 0 : i32
        %dma_wait3A_132 = arith.constant 0 : i32
        %dma_wait3A_133 = tpu.memref_slice %arg12[%dma_wait3A_131, %dma_wait3A_132] : memref<10240x128xf32, #tpu.memory_space<vmem_shared>> -> memref<10240x128xf32, #tpu.memory_space<vmem_shared>>
        tpu.wait_indirect_dma semaphore(%run_scoped3A : memref<!tpu.dma_semaphore, #tpu.memory_space<semaphore_mem>>) src(%arg11 : memref<128x128xf32, #tpu.memory_space<vmem>>) dst(%dma_wait3A_133 : memref<10240x128xf32, #tpu.memory_space<vmem_shared>>)
        tpu.yield
      }) : () -> ()
      %add3A_112 = arith.constant 2 : i32
      %add3A_113 = arith.addi %add3A_99, %add3A_112 : i32
      %dma_start3A_114 = arith.constant 0 : i32
      %dma_start3A_115 = tpu.memref_slice %arg4[%add3A, %add3A_113, %dma_start3A_114] : memref<32x80x128xi32, #tpu.memory_space<hbm>> -> memref<1x1x128xi32, #tpu.memory_space<hbm>>
      %dma_start3A_116 = tpu.memref_squeeze %dma_start3A_115 : memref<1x1x128xi32, #tpu.memory_space<hbm>> -> memref<128xi32, #tpu.memory_space<hbm>>
      %dma_start3A_117 = arith.constant 0 : i32
      %dma_start3A_118 = tpu.memref_slice %arg4[%add3A, %add3A_113, %dma_start3A_117] : memref<32x80x128xi32, #tpu.memory_space<hbm>> -> memref<1x1x128xi32, #tpu.memory_space<hbm>>
      %dma_start3A_119 = tpu.memref_squeeze %dma_start3A_118 : memref<1x1x128xi32, #tpu.memory_space<hbm>> -> memref<128xi32, #tpu.memory_space<hbm>>
      tpu.enqueue_dma source(%dma_start3A_119 : memref<128xi32, #tpu.memory_space<hbm>>) target(%arg9 : memref<128xi32, #tpu.memory_space<vmem>>) target_semaphore(%arg14 : memref<!tpu.dma_semaphore, #tpu.memory_space<semaphore_mem>>)
      %add3A_120 = arith.constant 2 : i32
      %add3A_121 = arith.addi %add3A_99, %add3A_120 : i32
      %dma_start3A_122 = arith.constant 0 : i32
      %dma_start3A_123 = tpu.memref_slice %arg7[%add3A_121, %dma_start3A_122] : memref<80x128xi32, #tpu.memory_space<vmem>> -> memref<1x128xi32, #tpu.memory_space<vmem>>
      %dma_start3A_124 = tpu.memref_squeeze %dma_start3A_123 : memref<1x128xi32, #tpu.memory_space<vmem>> -> memref<128xi32, #tpu.memory_space<vmem>>
      %dma_start3A_125 = arith.constant 0 : i32
      %dma_start3A_126 = arith.constant 0 : i32
      %dma_start3A_127 = tpu.memref_slice %arg2[%dma_start3A_125, %dma_start3A_126] : memref<10240x128xf32, #tpu.memory_space<hbm>> -> memref<10240x128xf32, #tpu.memory_space<hbm>>
      tpu.enqueue_indirect_dma source(%dma_start3A_127 : memref<10240x128xf32, #tpu.memory_space<hbm>>) target(%arg11 : memref<128x128xf32, #tpu.memory_space<vmem>>) offsets(%dma_start3A_124 : memref<128xi32, #tpu.memory_space<vmem>>) semaphore(%arg16 : memref<!tpu.dma_semaphore, #tpu.memory_space<semaphore_mem>>)
    }
    %scan3A_34 = arith.constant 39 : i32
    %dma_wait3A = arith.constant 78 : i32
    %dma_wait3A_35 = arith.constant 0 : i32
    %dma_wait3A_36 = tpu.memref_slice %arg4[%add3A, %dma_wait3A, %dma_wait3A_35] : memref<32x80x128xi32, #tpu.memory_space<hbm>> -> memref<1x1x128xi32, #tpu.memory_space<hbm>>
    %dma_wait3A_37 = tpu.memref_squeeze %dma_wait3A_36 : memref<1x1x128xi32, #tpu.memory_space<hbm>> -> memref<128xi32, #tpu.memory_space<hbm>>
    %dma_wait3A_38 = arith.constant 0 : i32
    %dma_wait3A_39 = tpu.memref_slice %arg4[%add3A, %dma_wait3A, %dma_wait3A_38] : memref<32x80x128xi32, #tpu.memory_space<hbm>> -> memref<1x1x128xi32, #tpu.memory_space<hbm>>
    %dma_wait3A_40 = tpu.memref_squeeze %dma_wait3A_39 : memref<1x1x128xi32, #tpu.memory_space<hbm>> -> memref<128xi32, #tpu.memory_space<hbm>>
    tpu.wait_dma2 semaphore(%arg13 : memref<!tpu.dma_semaphore, #tpu.memory_space<semaphore_mem>>) src(%dma_wait3A_40 : memref<128xi32, #tpu.memory_space<hbm>>) dst(%arg8 : memref<128xi32, #tpu.memory_space<vmem>>)
    %dma_wait3A_41 = arith.constant 78 : i32
    %dma_wait3A_42 = arith.constant 0 : i32
    %dma_wait3A_43 = tpu.memref_slice %arg7[%dma_wait3A_41, %dma_wait3A_42] : memref<80x128xi32, #tpu.memory_space<vmem>> -> memref<1x128xi32, #tpu.memory_space<vmem>>
    %dma_wait3A_44 = tpu.memref_squeeze %dma_wait3A_43 : memref<1x128xi32, #tpu.memory_space<vmem>> -> memref<128xi32, #tpu.memory_space<vmem>>
    %dma_wait3A_45 = arith.constant 0 : i32
    %dma_wait3A_46 = arith.constant 0 : i32
    %dma_wait3A_47 = tpu.memref_slice %arg2[%dma_wait3A_45, %dma_wait3A_46] : memref<10240x128xf32, #tpu.memory_space<hbm>> -> memref<10240x128xf32, #tpu.memory_space<hbm>>
    tpu.wait_indirect_dma semaphore(%arg15 : memref<!tpu.dma_semaphore, #tpu.memory_space<semaphore_mem>>) src(%dma_wait3A_47 : memref<10240x128xf32, #tpu.memory_space<hbm>>) dst(%arg10 : memref<128x128xf32, #tpu.memory_space<vmem>>)
    "tpu.region"() ({
      %run_scoped3A = tpu.sem_alloc : memref<!tpu.dma_semaphore, #tpu.memory_space<semaphore_mem>>
      %dma_start3A_63 = arith.constant 0 : i32
      %dma_start3A_64 = arith.constant 0 : i32
      %dma_start3A_65 = tpu.memref_slice %arg12[%dma_start3A_63, %dma_start3A_64] : memref<10240x128xf32, #tpu.memory_space<vmem_shared>> -> memref<10240x128xf32, #tpu.memory_space<vmem_shared>>
      tpu.enqueue_indirect_dma source(%arg10 : memref<128x128xf32, #tpu.memory_space<vmem>>) target(%dma_start3A_65 : memref<10240x128xf32, #tpu.memory_space<vmem_shared>>) offsets(%arg8 : memref<128xi32, #tpu.memory_space<vmem>>) semaphore(%run_scoped3A : memref<!tpu.dma_semaphore, #tpu.memory_space<semaphore_mem>>) {add = true}
      %dma_wait3A_66 = arith.constant 0 : i32
      %dma_wait3A_67 = arith.constant 0 : i32
      %dma_wait3A_68 = tpu.memref_slice %arg12[%dma_wait3A_66, %dma_wait3A_67] : memref<10240x128xf32, #tpu.memory_space<vmem_shared>> -> memref<10240x128xf32, #tpu.memory_space<vmem_shared>>
      tpu.wait_indirect_dma semaphore(%run_scoped3A : memref<!tpu.dma_semaphore, #tpu.memory_space<semaphore_mem>>) src(%arg10 : memref<128x128xf32, #tpu.memory_space<vmem>>) dst(%dma_wait3A_68 : memref<10240x128xf32, #tpu.memory_space<vmem_shared>>)
      tpu.yield
    }) : () -> ()
    %dma_wait3A_48 = arith.constant 79 : i32
    %dma_wait3A_49 = arith.constant 0 : i32
    %dma_wait3A_50 = tpu.memref_slice %arg4[%add3A, %dma_wait3A_48, %dma_wait3A_49] : memref<32x80x128xi32, #tpu.memory_space<hbm>> -> memref<1x1x128xi32, #tpu.memory_space<hbm>>
    %dma_wait3A_51 = tpu.memref_squeeze %dma_wait3A_50 : memref<1x1x128xi32, #tpu.memory_space<hbm>> -> memref<128xi32, #tpu.memory_space<hbm>>
    %dma_wait3A_52 = arith.constant 0 : i32
    %dma_wait3A_53 = tpu.memref_slice %arg4[%add3A, %dma_wait3A_48, %dma_wait3A_52] : memref<32x80x128xi32, #tpu.memory_space<hbm>> -> memref<1x1x128xi32, #tpu.memory_space<hbm>>
    %dma_wait3A_54 = tpu.memref_squeeze %dma_wait3A_53 : memref<1x1x128xi32, #tpu.memory_space<hbm>> -> memref<128xi32, #tpu.memory_space<hbm>>
    tpu.wait_dma2 semaphore(%arg14 : memref<!tpu.dma_semaphore, #tpu.memory_space<semaphore_mem>>) src(%dma_wait3A_54 : memref<128xi32, #tpu.memory_space<hbm>>) dst(%arg9 : memref<128xi32, #tpu.memory_space<vmem>>)
    %dma_wait3A_55 = arith.constant 79 : i32
    %dma_wait3A_56 = arith.constant 0 : i32
    %dma_wait3A_57 = tpu.memref_slice %arg7[%dma_wait3A_55, %dma_wait3A_56] : memref<80x128xi32, #tpu.memory_space<vmem>> -> memref<1x128xi32, #tpu.memory_space<vmem>>
    %dma_wait3A_58 = tpu.memref_squeeze %dma_wait3A_57 : memref<1x128xi32, #tpu.memory_space<vmem>> -> memref<128xi32, #tpu.memory_space<vmem>>
    %dma_wait3A_59 = arith.constant 0 : i32
    %dma_wait3A_60 = arith.constant 0 : i32
    %dma_wait3A_61 = tpu.memref_slice %arg2[%dma_wait3A_59, %dma_wait3A_60] : memref<10240x128xf32, #tpu.memory_space<hbm>> -> memref<10240x128xf32, #tpu.memory_space<hbm>>
    tpu.wait_indirect_dma semaphore(%arg16 : memref<!tpu.dma_semaphore, #tpu.memory_space<semaphore_mem>>) src(%dma_wait3A_61 : memref<10240x128xf32, #tpu.memory_space<hbm>>) dst(%arg11 : memref<128x128xf32, #tpu.memory_space<vmem>>)
    "tpu.region"() ({
      %run_scoped3A = tpu.sem_alloc : memref<!tpu.dma_semaphore, #tpu.memory_space<semaphore_mem>>
      %dma_start3A_63 = arith.constant 0 : i32
      %dma_start3A_64 = arith.constant 0 : i32
      %dma_start3A_65 = tpu.memref_slice %arg12[%dma_start3A_63, %dma_start3A_64] : memref<10240x128xf32, #tpu.memory_space<vmem_shared>> -> memref<10240x128xf32, #tpu.memory_space<vmem_shared>>
      tpu.enqueue_indirect_dma source(%arg11 : memref<128x128xf32, #tpu.memory_space<vmem>>) target(%dma_start3A_65 : memref<10240x128xf32, #tpu.memory_space<vmem_shared>>) offsets(%arg9 : memref<128xi32, #tpu.memory_space<vmem>>) semaphore(%run_scoped3A : memref<!tpu.dma_semaphore, #tpu.memory_space<semaphore_mem>>) {add = true}
      %dma_wait3A_66 = arith.constant 0 : i32
      %dma_wait3A_67 = arith.constant 0 : i32
      %dma_wait3A_68 = tpu.memref_slice %arg12[%dma_wait3A_66, %dma_wait3A_67] : memref<10240x128xf32, #tpu.memory_space<vmem_shared>> -> memref<10240x128xf32, #tpu.memory_space<vmem_shared>>
      tpu.wait_indirect_dma semaphore(%run_scoped3A : memref<!tpu.dma_semaphore, #tpu.memory_space<semaphore_mem>>) src(%arg11 : memref<128x128xf32, #tpu.memory_space<vmem>>) dst(%dma_wait3A_68 : memref<10240x128xf32, #tpu.memory_space<vmem_shared>>)
      tpu.yield
    }) : () -> ()
    %barrier3A_62 = arith.constant 0 : index
    tpu.barrier barrier_id(%barrier3A_62)
    "tpu.region"() ({
      %run_scoped3A = tpu.sem_alloc : memref<!tpu.dma_semaphore, #tpu.memory_space<semaphore_mem>>
      %dma_start3A_63 = arith.constant 0 : i32
      %dma_start3A_64 = tpu.memref_slice %arg6[%arg0, %mul3A_2, %dma_start3A_63] : memref<2x10240x128xf32, #tpu.memory_space<hbm>> -> memref<1x640x128xf32, #tpu.memory_space<hbm>>
      %dma_start3A_65 = tpu.memref_squeeze %dma_start3A_64 : memref<1x640x128xf32, #tpu.memory_space<hbm>> -> memref<640x128xf32, #tpu.memory_space<hbm>>
      %dma_start3A_66 = arith.constant 0 : i32
      %dma_start3A_67 = tpu.memref_slice %arg12[%mul3A_2, %dma_start3A_66] : memref<10240x128xf32, #tpu.memory_space<vmem_shared>> -> memref<640x128xf32, #tpu.memory_space<vmem_shared>>
      tpu.enqueue_dma source(%dma_start3A_67 : memref<640x128xf32, #tpu.memory_space<vmem_shared>>) target(%dma_start3A_65 : memref<640x128xf32, #tpu.memory_space<hbm>>) target_semaphore(%run_scoped3A : memref<!tpu.dma_semaphore, #tpu.memory_space<semaphore_mem>>)
      %dma_wait3A_68 = arith.constant 0 : i32
      %dma_wait3A_69 = tpu.memref_slice %arg6[%arg0, %mul3A_2, %dma_wait3A_68] : memref<2x10240x128xf32, #tpu.memory_space<hbm>> -> memref<1x640x128xf32, #tpu.memory_space<hbm>>
      %dma_wait3A_70 = tpu.memref_squeeze %dma_wait3A_69 : memref<1x640x128xf32, #tpu.memory_space<hbm>> -> memref<640x128xf32, #tpu.memory_space<hbm>>
      %dma_wait3A_71 = arith.constant 0 : i32
      %dma_wait3A_72 = tpu.memref_slice %arg12[%mul3A_2, %dma_wait3A_71] : memref<10240x128xf32, #tpu.memory_space<vmem_shared>> -> memref<640x128xf32, #tpu.memory_space<vmem_shared>>
      tpu.wait_dma2 semaphore(%run_scoped3A : memref<!tpu.dma_semaphore, #tpu.memory_space<semaphore_mem>>) src(%dma_wait3A_72 : memref<640x128xf32, #tpu.memory_space<vmem_shared>>) dst(%dma_wait3A_70 : memref<640x128xf32, #tpu.memory_space<hbm>>)
      tpu.yield
    }) : () -> ()
    return
  }
}

#map = affine_map<(d0, d1) -> (0, 0, 0)>
#map1 = affine_map<(d0, d1) -> (0, 0)>
module attributes {stable_mosaic.version = 14 : i64} {
  func.func @_degree_kernel(%arg0: i32, %arg1: i32, %arg2: memref<32x80x128xi32, #tpu.memory_space<hbm>>, %arg3: memref<128x128xf32, #tpu.memory_space<hbm>>, %arg4: memref<640x128xf32, #tpu.memory_space<hbm>>, %arg5: memref<2x10240x128xf32, #tpu.memory_space<hbm>>, %arg6: memref<80x128xi32, #tpu.memory_space<vmem>>, %arg7: memref<128x128xf32, #tpu.memory_space<vmem>>, %arg8: memref<10240x128xf32, #tpu.memory_space<vmem_shared>>, %arg9: memref<!tpu.dma_semaphore, #tpu.memory_space<semaphore_mem>>) attributes {dimension_semantics = [#tpu.dimension_semantics<core_parallel>, #tpu.dimension_semantics<subcore_parallel>], iteration_bounds = array<i64: 2, 16>, scalar_prefetch = 0 : i64, scratch_operands = 4 : i64, tpu.core_type = #tpu.core_type<sc_vector_subcore>, window_params = [{transform_indices = #map}, {transform_indices = #map1}, {transform_indices = #map1}, {transform_indices = #map}]} {
    %mul3A = arith.constant 2 : i32
    %mul3A_0 = arith.muli %arg1, %mul3A : i32
    %add3A = arith.addi %mul3A_0, %arg0 : i32
    %mul3A_1 = arith.constant 640 : i32
    %mul3A_2 = arith.muli %arg1, %mul3A_1 : i32
    "tpu.region"() ({
      %run_scoped3A = tpu.sem_alloc : memref<!tpu.dma_semaphore, #tpu.memory_space<semaphore_mem>>
      %dma_start3A_126 = arith.constant 0 : i32
      %dma_start3A_127 = tpu.memref_slice %arg8[%mul3A_2, %dma_start3A_126] : memref<10240x128xf32, #tpu.memory_space<vmem_shared>> -> memref<640x128xf32, #tpu.memory_space<vmem_shared>>
      tpu.enqueue_dma source(%arg4 : memref<640x128xf32, #tpu.memory_space<hbm>>) target(%dma_start3A_127 : memref<640x128xf32, #tpu.memory_space<vmem_shared>>) target_semaphore(%run_scoped3A : memref<!tpu.dma_semaphore, #tpu.memory_space<semaphore_mem>>)
      %dma_wait3A = arith.constant 0 : i32
      %dma_wait3A_128 = tpu.memref_slice %arg8[%mul3A_2, %dma_wait3A] : memref<10240x128xf32, #tpu.memory_space<vmem_shared>> -> memref<640x128xf32, #tpu.memory_space<vmem_shared>>
      tpu.wait_dma2 semaphore(%run_scoped3A : memref<!tpu.dma_semaphore, #tpu.memory_space<semaphore_mem>>) src(%arg4 : memref<640x128xf32, #tpu.memory_space<hbm>>) dst(%dma_wait3A_128 : memref<640x128xf32, #tpu.memory_space<vmem_shared>>)
      tpu.yield
    }) : () -> ()
    "tpu.region"() ({
      %run_scoped3A = tpu.sem_alloc : memref<!tpu.dma_semaphore, #tpu.memory_space<semaphore_mem>>
      tpu.enqueue_dma source(%arg3 : memref<128x128xf32, #tpu.memory_space<hbm>>) target(%arg7 : memref<128x128xf32, #tpu.memory_space<vmem>>) target_semaphore(%run_scoped3A : memref<!tpu.dma_semaphore, #tpu.memory_space<semaphore_mem>>)
      tpu.wait_dma2 semaphore(%run_scoped3A : memref<!tpu.dma_semaphore, #tpu.memory_space<semaphore_mem>>) src(%arg3 : memref<128x128xf32, #tpu.memory_space<hbm>>) dst(%arg7 : memref<128x128xf32, #tpu.memory_space<vmem>>)
      tpu.yield
    }) : () -> ()
    "tpu.region"() ({
      %run_scoped3A = tpu.sem_alloc : memref<!tpu.dma_semaphore, #tpu.memory_space<semaphore_mem>>
      %dma_start3A_126 = arith.constant 0 : i32
      %dma_start3A_127 = arith.constant 0 : i32
      %dma_start3A_128 = tpu.memref_slice %arg2[%add3A, %dma_start3A_126, %dma_start3A_127] : memref<32x80x128xi32, #tpu.memory_space<hbm>> -> memref<1x80x128xi32, #tpu.memory_space<hbm>>
      %dma_start3A_129 = tpu.memref_squeeze %dma_start3A_128 : memref<1x80x128xi32, #tpu.memory_space<hbm>> -> memref<80x128xi32, #tpu.memory_space<hbm>>
      %dma_start3A_130 = arith.constant 0 : i32
      %dma_start3A_131 = arith.constant 0 : i32
      %dma_start3A_132 = tpu.memref_slice %arg2[%add3A, %dma_start3A_130, %dma_start3A_131] : memref<32x80x128xi32, #tpu.memory_space<hbm>> -> memref<1x80x128xi32, #tpu.memory_space<hbm>>
      %dma_start3A_133 = tpu.memref_squeeze %dma_start3A_132 : memref<1x80x128xi32, #tpu.memory_space<hbm>> -> memref<80x128xi32, #tpu.memory_space<hbm>>
      tpu.enqueue_dma source(%dma_start3A_133 : memref<80x128xi32, #tpu.memory_space<hbm>>) target(%arg6 : memref<80x128xi32, #tpu.memory_space<vmem>>) target_semaphore(%run_scoped3A : memref<!tpu.dma_semaphore, #tpu.memory_space<semaphore_mem>>)
      %dma_wait3A = arith.constant 0 : i32
      %dma_wait3A_134 = arith.constant 0 : i32
      %dma_wait3A_135 = tpu.memref_slice %arg2[%add3A, %dma_wait3A, %dma_wait3A_134] : memref<32x80x128xi32, #tpu.memory_space<hbm>> -> memref<1x80x128xi32, #tpu.memory_space<hbm>>
      %dma_wait3A_136 = tpu.memref_squeeze %dma_wait3A_135 : memref<1x80x128xi32, #tpu.memory_space<hbm>> -> memref<80x128xi32, #tpu.memory_space<hbm>>
      %dma_wait3A_137 = arith.constant 0 : i32
      %dma_wait3A_138 = arith.constant 0 : i32
      %dma_wait3A_139 = tpu.memref_slice %arg2[%add3A, %dma_wait3A_137, %dma_wait3A_138] : memref<32x80x128xi32, #tpu.memory_space<hbm>> -> memref<1x80x128xi32, #tpu.memory_space<hbm>>
      %dma_wait3A_140 = tpu.memref_squeeze %dma_wait3A_139 : memref<1x80x128xi32, #tpu.memory_space<hbm>> -> memref<80x128xi32, #tpu.memory_space<hbm>>
      tpu.wait_dma2 semaphore(%run_scoped3A : memref<!tpu.dma_semaphore, #tpu.memory_space<semaphore_mem>>) src(%dma_wait3A_140 : memref<80x128xi32, #tpu.memory_space<hbm>>) dst(%arg6 : memref<80x128xi32, #tpu.memory_space<vmem>>)
      tpu.yield
    }) : () -> ()
    %barrier3A = arith.constant 0 : index
    tpu.barrier barrier_id(%barrier3A)
    %dma_start3A = arith.constant 0 : i32
    %dma_start3A_3 = arith.constant 0 : i32
    %dma_start3A_4 = tpu.memref_slice %arg6[%dma_start3A, %dma_start3A_3] : memref<80x128xi32, #tpu.memory_space<vmem>> -> memref<1x128xi32, #tpu.memory_space<vmem>>
    %dma_start3A_5 = tpu.memref_squeeze %dma_start3A_4 : memref<1x128xi32, #tpu.memory_space<vmem>> -> memref<128xi32, #tpu.memory_space<vmem>>
    %dma_start3A_6 = arith.constant 0 : i32
    %dma_start3A_7 = arith.constant 0 : i32
    %dma_start3A_8 = tpu.memref_slice %arg8[%dma_start3A_6, %dma_start3A_7] : memref<10240x128xf32, #tpu.memory_space<vmem_shared>> -> memref<10240x128xf32, #tpu.memory_space<vmem_shared>>
    tpu.enqueue_indirect_dma source(%arg7 : memref<128x128xf32, #tpu.memory_space<vmem>>) target(%dma_start3A_8 : memref<10240x128xf32, #tpu.memory_space<vmem_shared>>) offsets(%dma_start3A_5 : memref<128xi32, #tpu.memory_space<vmem>>) semaphore(%arg9 : memref<!tpu.dma_semaphore, #tpu.memory_space<semaphore_mem>>) {add = true}
    %dma_start3A_9 = arith.constant 1 : i32
    %dma_start3A_10 = arith.constant 0 : i32
    %dma_start3A_11 = tpu.memref_slice %arg6[%dma_start3A_9, %dma_start3A_10] : memref<80x128xi32, #tpu.memory_space<vmem>> -> memref<1x128xi32, #tpu.memory_space<vmem>>
    %dma_start3A_12 = tpu.memref_squeeze %dma_start3A_11 : memref<1x128xi32, #tpu.memory_space<vmem>> -> memref<128xi32, #tpu.memory_space<vmem>>
    %dma_start3A_13 = arith.constant 0 : i32
    %dma_start3A_14 = arith.constant 0 : i32
    %dma_start3A_15 = tpu.memref_slice %arg8[%dma_start3A_13, %dma_start3A_14] : memref<10240x128xf32, #tpu.memory_space<vmem_shared>> -> memref<10240x128xf32, #tpu.memory_space<vmem_shared>>
    tpu.enqueue_indirect_dma source(%arg7 : memref<128x128xf32, #tpu.memory_space<vmem>>) target(%dma_start3A_15 : memref<10240x128xf32, #tpu.memory_space<vmem_shared>>) offsets(%dma_start3A_12 : memref<128xi32, #tpu.memory_space<vmem>>) semaphore(%arg9 : memref<!tpu.dma_semaphore, #tpu.memory_space<semaphore_mem>>) {add = true}
    %dma_start3A_16 = arith.constant 2 : i32
    %dma_start3A_17 = arith.constant 0 : i32
    %dma_start3A_18 = tpu.memref_slice %arg6[%dma_start3A_16, %dma_start3A_17] : memref<80x128xi32, #tpu.memory_space<vmem>> -> memref<1x128xi32, #tpu.memory_space<vmem>>
    %dma_start3A_19 = tpu.memref_squeeze %dma_start3A_18 : memref<1x128xi32, #tpu.memory_space<vmem>> -> memref<128xi32, #tpu.memory_space<vmem>>
    %dma_start3A_20 = arith.constant 0 : i32
    %dma_start3A_21 = arith.constant 0 : i32
    %dma_start3A_22 = tpu.memref_slice %arg8[%dma_start3A_20, %dma_start3A_21] : memref<10240x128xf32, #tpu.memory_space<vmem_shared>> -> memref<10240x128xf32, #tpu.memory_space<vmem_shared>>
    tpu.enqueue_indirect_dma source(%arg7 : memref<128x128xf32, #tpu.memory_space<vmem>>) target(%dma_start3A_22 : memref<10240x128xf32, #tpu.memory_space<vmem_shared>>) offsets(%dma_start3A_19 : memref<128xi32, #tpu.memory_space<vmem>>) semaphore(%arg9 : memref<!tpu.dma_semaphore, #tpu.memory_space<semaphore_mem>>) {add = true}
    %dma_start3A_23 = arith.constant 3 : i32
    %dma_start3A_24 = arith.constant 0 : i32
    %dma_start3A_25 = tpu.memref_slice %arg6[%dma_start3A_23, %dma_start3A_24] : memref<80x128xi32, #tpu.memory_space<vmem>> -> memref<1x128xi32, #tpu.memory_space<vmem>>
    %dma_start3A_26 = tpu.memref_squeeze %dma_start3A_25 : memref<1x128xi32, #tpu.memory_space<vmem>> -> memref<128xi32, #tpu.memory_space<vmem>>
    %dma_start3A_27 = arith.constant 0 : i32
    %dma_start3A_28 = arith.constant 0 : i32
    %dma_start3A_29 = tpu.memref_slice %arg8[%dma_start3A_27, %dma_start3A_28] : memref<10240x128xf32, #tpu.memory_space<vmem_shared>> -> memref<10240x128xf32, #tpu.memory_space<vmem_shared>>
    tpu.enqueue_indirect_dma source(%arg7 : memref<128x128xf32, #tpu.memory_space<vmem>>) target(%dma_start3A_29 : memref<10240x128xf32, #tpu.memory_space<vmem_shared>>) offsets(%dma_start3A_26 : memref<128xi32, #tpu.memory_space<vmem>>) semaphore(%arg9 : memref<!tpu.dma_semaphore, #tpu.memory_space<semaphore_mem>>) {add = true}
    %dma_start3A_30 = arith.constant 4 : i32
    %dma_start3A_31 = arith.constant 0 : i32
    %dma_start3A_32 = tpu.memref_slice %arg6[%dma_start3A_30, %dma_start3A_31] : memref<80x128xi32, #tpu.memory_space<vmem>> -> memref<1x128xi32, #tpu.memory_space<vmem>>
    %dma_start3A_33 = tpu.memref_squeeze %dma_start3A_32 : memref<1x128xi32, #tpu.memory_space<vmem>> -> memref<128xi32, #tpu.memory_space<vmem>>
    %dma_start3A_34 = arith.constant 0 : i32
    %dma_start3A_35 = arith.constant 0 : i32
    %dma_start3A_36 = tpu.memref_slice %arg8[%dma_start3A_34, %dma_start3A_35] : memref<10240x128xf32, #tpu.memory_space<vmem_shared>> -> memref<10240x128xf32, #tpu.memory_space<vmem_shared>>
    tpu.enqueue_indirect_dma source(%arg7 : memref<128x128xf32, #tpu.memory_space<vmem>>) target(%dma_start3A_36 : memref<10240x128xf32, #tpu.memory_space<vmem_shared>>) offsets(%dma_start3A_33 : memref<128xi32, #tpu.memory_space<vmem>>) semaphore(%arg9 : memref<!tpu.dma_semaphore, #tpu.memory_space<semaphore_mem>>) {add = true}
    %dma_start3A_37 = arith.constant 5 : i32
    %dma_start3A_38 = arith.constant 0 : i32
    %dma_start3A_39 = tpu.memref_slice %arg6[%dma_start3A_37, %dma_start3A_38] : memref<80x128xi32, #tpu.memory_space<vmem>> -> memref<1x128xi32, #tpu.memory_space<vmem>>
    %dma_start3A_40 = tpu.memref_squeeze %dma_start3A_39 : memref<1x128xi32, #tpu.memory_space<vmem>> -> memref<128xi32, #tpu.memory_space<vmem>>
    %dma_start3A_41 = arith.constant 0 : i32
    %dma_start3A_42 = arith.constant 0 : i32
    %dma_start3A_43 = tpu.memref_slice %arg8[%dma_start3A_41, %dma_start3A_42] : memref<10240x128xf32, #tpu.memory_space<vmem_shared>> -> memref<10240x128xf32, #tpu.memory_space<vmem_shared>>
    tpu.enqueue_indirect_dma source(%arg7 : memref<128x128xf32, #tpu.memory_space<vmem>>) target(%dma_start3A_43 : memref<10240x128xf32, #tpu.memory_space<vmem_shared>>) offsets(%dma_start3A_40 : memref<128xi32, #tpu.memory_space<vmem>>) semaphore(%arg9 : memref<!tpu.dma_semaphore, #tpu.memory_space<semaphore_mem>>) {add = true}
    %dma_start3A_44 = arith.constant 6 : i32
    %dma_start3A_45 = arith.constant 0 : i32
    %dma_start3A_46 = tpu.memref_slice %arg6[%dma_start3A_44, %dma_start3A_45] : memref<80x128xi32, #tpu.memory_space<vmem>> -> memref<1x128xi32, #tpu.memory_space<vmem>>
    %dma_start3A_47 = tpu.memref_squeeze %dma_start3A_46 : memref<1x128xi32, #tpu.memory_space<vmem>> -> memref<128xi32, #tpu.memory_space<vmem>>
    %dma_start3A_48 = arith.constant 0 : i32
    %dma_start3A_49 = arith.constant 0 : i32
    %dma_start3A_50 = tpu.memref_slice %arg8[%dma_start3A_48, %dma_start3A_49] : memref<10240x128xf32, #tpu.memory_space<vmem_shared>> -> memref<10240x128xf32, #tpu.memory_space<vmem_shared>>
    tpu.enqueue_indirect_dma source(%arg7 : memref<128x128xf32, #tpu.memory_space<vmem>>) target(%dma_start3A_50 : memref<10240x128xf32, #tpu.memory_space<vmem_shared>>) offsets(%dma_start3A_47 : memref<128xi32, #tpu.memory_space<vmem>>) semaphore(%arg9 : memref<!tpu.dma_semaphore, #tpu.memory_space<semaphore_mem>>) {add = true}
    %dma_start3A_51 = arith.constant 7 : i32
    %dma_start3A_52 = arith.constant 0 : i32
    %dma_start3A_53 = tpu.memref_slice %arg6[%dma_start3A_51, %dma_start3A_52] : memref<80x128xi32, #tpu.memory_space<vmem>> -> memref<1x128xi32, #tpu.memory_space<vmem>>
    %dma_start3A_54 = tpu.memref_squeeze %dma_start3A_53 : memref<1x128xi32, #tpu.memory_space<vmem>> -> memref<128xi32, #tpu.memory_space<vmem>>
    %dma_start3A_55 = arith.constant 0 : i32
    %dma_start3A_56 = arith.constant 0 : i32
    %dma_start3A_57 = tpu.memref_slice %arg8[%dma_start3A_55, %dma_start3A_56] : memref<10240x128xf32, #tpu.memory_space<vmem_shared>> -> memref<10240x128xf32, #tpu.memory_space<vmem_shared>>
    tpu.enqueue_indirect_dma source(%arg7 : memref<128x128xf32, #tpu.memory_space<vmem>>) target(%dma_start3A_57 : memref<10240x128xf32, #tpu.memory_space<vmem_shared>>) offsets(%dma_start3A_54 : memref<128xi32, #tpu.memory_space<vmem>>) semaphore(%arg9 : memref<!tpu.dma_semaphore, #tpu.memory_space<semaphore_mem>>) {add = true}
    %dma_start3A_58 = arith.constant 8 : i32
    %dma_start3A_59 = arith.constant 0 : i32
    %dma_start3A_60 = tpu.memref_slice %arg6[%dma_start3A_58, %dma_start3A_59] : memref<80x128xi32, #tpu.memory_space<vmem>> -> memref<1x128xi32, #tpu.memory_space<vmem>>
    %dma_start3A_61 = tpu.memref_squeeze %dma_start3A_60 : memref<1x128xi32, #tpu.memory_space<vmem>> -> memref<128xi32, #tpu.memory_space<vmem>>
    %dma_start3A_62 = arith.constant 0 : i32
    %dma_start3A_63 = arith.constant 0 : i32
    %dma_start3A_64 = tpu.memref_slice %arg8[%dma_start3A_62, %dma_start3A_63] : memref<10240x128xf32, #tpu.memory_space<vmem_shared>> -> memref<10240x128xf32, #tpu.memory_space<vmem_shared>>
    tpu.enqueue_indirect_dma source(%arg7 : memref<128x128xf32, #tpu.memory_space<vmem>>) target(%dma_start3A_64 : memref<10240x128xf32, #tpu.memory_space<vmem_shared>>) offsets(%dma_start3A_61 : memref<128xi32, #tpu.memory_space<vmem>>) semaphore(%arg9 : memref<!tpu.dma_semaphore, #tpu.memory_space<semaphore_mem>>) {add = true}
    %dma_start3A_65 = arith.constant 9 : i32
    %dma_start3A_66 = arith.constant 0 : i32
    %dma_start3A_67 = tpu.memref_slice %arg6[%dma_start3A_65, %dma_start3A_66] : memref<80x128xi32, #tpu.memory_space<vmem>> -> memref<1x128xi32, #tpu.memory_space<vmem>>
    %dma_start3A_68 = tpu.memref_squeeze %dma_start3A_67 : memref<1x128xi32, #tpu.memory_space<vmem>> -> memref<128xi32, #tpu.memory_space<vmem>>
    %dma_start3A_69 = arith.constant 0 : i32
    %dma_start3A_70 = arith.constant 0 : i32
    %dma_start3A_71 = tpu.memref_slice %arg8[%dma_start3A_69, %dma_start3A_70] : memref<10240x128xf32, #tpu.memory_space<vmem_shared>> -> memref<10240x128xf32, #tpu.memory_space<vmem_shared>>
    tpu.enqueue_indirect_dma source(%arg7 : memref<128x128xf32, #tpu.memory_space<vmem>>) target(%dma_start3A_71 : memref<10240x128xf32, #tpu.memory_space<vmem_shared>>) offsets(%dma_start3A_68 : memref<128xi32, #tpu.memory_space<vmem>>) semaphore(%arg9 : memref<!tpu.dma_semaphore, #tpu.memory_space<semaphore_mem>>) {add = true}
    %dma_start3A_72 = arith.constant 10 : i32
    %dma_start3A_73 = arith.constant 0 : i32
    %dma_start3A_74 = tpu.memref_slice %arg6[%dma_start3A_72, %dma_start3A_73] : memref<80x128xi32, #tpu.memory_space<vmem>> -> memref<1x128xi32, #tpu.memory_space<vmem>>
    %dma_start3A_75 = tpu.memref_squeeze %dma_start3A_74 : memref<1x128xi32, #tpu.memory_space<vmem>> -> memref<128xi32, #tpu.memory_space<vmem>>
    %dma_start3A_76 = arith.constant 0 : i32
    %dma_start3A_77 = arith.constant 0 : i32
    %dma_start3A_78 = tpu.memref_slice %arg8[%dma_start3A_76, %dma_start3A_77] : memref<10240x128xf32, #tpu.memory_space<vmem_shared>> -> memref<10240x128xf32, #tpu.memory_space<vmem_shared>>
    tpu.enqueue_indirect_dma source(%arg7 : memref<128x128xf32, #tpu.memory_space<vmem>>) target(%dma_start3A_78 : memref<10240x128xf32, #tpu.memory_space<vmem_shared>>) offsets(%dma_start3A_75 : memref<128xi32, #tpu.memory_space<vmem>>) semaphore(%arg9 : memref<!tpu.dma_semaphore, #tpu.memory_space<semaphore_mem>>) {add = true}
    %dma_start3A_79 = arith.constant 11 : i32
    %dma_start3A_80 = arith.constant 0 : i32
    %dma_start3A_81 = tpu.memref_slice %arg6[%dma_start3A_79, %dma_start3A_80] : memref<80x128xi32, #tpu.memory_space<vmem>> -> memref<1x128xi32, #tpu.memory_space<vmem>>
    %dma_start3A_82 = tpu.memref_squeeze %dma_start3A_81 : memref<1x128xi32, #tpu.memory_space<vmem>> -> memref<128xi32, #tpu.memory_space<vmem>>
    %dma_start3A_83 = arith.constant 0 : i32
    %dma_start3A_84 = arith.constant 0 : i32
    %dma_start3A_85 = tpu.memref_slice %arg8[%dma_start3A_83, %dma_start3A_84] : memref<10240x128xf32, #tpu.memory_space<vmem_shared>> -> memref<10240x128xf32, #tpu.memory_space<vmem_shared>>
    tpu.enqueue_indirect_dma source(%arg7 : memref<128x128xf32, #tpu.memory_space<vmem>>) target(%dma_start3A_85 : memref<10240x128xf32, #tpu.memory_space<vmem_shared>>) offsets(%dma_start3A_82 : memref<128xi32, #tpu.memory_space<vmem>>) semaphore(%arg9 : memref<!tpu.dma_semaphore, #tpu.memory_space<semaphore_mem>>) {add = true}
    %dma_start3A_86 = arith.constant 12 : i32
    %dma_start3A_87 = arith.constant 0 : i32
    %dma_start3A_88 = tpu.memref_slice %arg6[%dma_start3A_86, %dma_start3A_87] : memref<80x128xi32, #tpu.memory_space<vmem>> -> memref<1x128xi32, #tpu.memory_space<vmem>>
    %dma_start3A_89 = tpu.memref_squeeze %dma_start3A_88 : memref<1x128xi32, #tpu.memory_space<vmem>> -> memref<128xi32, #tpu.memory_space<vmem>>
    %dma_start3A_90 = arith.constant 0 : i32
    %dma_start3A_91 = arith.constant 0 : i32
    %dma_start3A_92 = tpu.memref_slice %arg8[%dma_start3A_90, %dma_start3A_91] : memref<10240x128xf32, #tpu.memory_space<vmem_shared>> -> memref<10240x128xf32, #tpu.memory_space<vmem_shared>>
    tpu.enqueue_indirect_dma source(%arg7 : memref<128x128xf32, #tpu.memory_space<vmem>>) target(%dma_start3A_92 : memref<10240x128xf32, #tpu.memory_space<vmem_shared>>) offsets(%dma_start3A_89 : memref<128xi32, #tpu.memory_space<vmem>>) semaphore(%arg9 : memref<!tpu.dma_semaphore, #tpu.memory_space<semaphore_mem>>) {add = true}
    %dma_start3A_93 = arith.constant 13 : i32
    %dma_start3A_94 = arith.constant 0 : i32
    %dma_start3A_95 = tpu.memref_slice %arg6[%dma_start3A_93, %dma_start3A_94] : memref<80x128xi32, #tpu.memory_space<vmem>> -> memref<1x128xi32, #tpu.memory_space<vmem>>
    %dma_start3A_96 = tpu.memref_squeeze %dma_start3A_95 : memref<1x128xi32, #tpu.memory_space<vmem>> -> memref<128xi32, #tpu.memory_space<vmem>>
    %dma_start3A_97 = arith.constant 0 : i32
    %dma_start3A_98 = arith.constant 0 : i32
    %dma_start3A_99 = tpu.memref_slice %arg8[%dma_start3A_97, %dma_start3A_98] : memref<10240x128xf32, #tpu.memory_space<vmem_shared>> -> memref<10240x128xf32, #tpu.memory_space<vmem_shared>>
    tpu.enqueue_indirect_dma source(%arg7 : memref<128x128xf32, #tpu.memory_space<vmem>>) target(%dma_start3A_99 : memref<10240x128xf32, #tpu.memory_space<vmem_shared>>) offsets(%dma_start3A_96 : memref<128xi32, #tpu.memory_space<vmem>>) semaphore(%arg9 : memref<!tpu.dma_semaphore, #tpu.memory_space<semaphore_mem>>) {add = true}
    %dma_start3A_100 = arith.constant 14 : i32
    %dma_start3A_101 = arith.constant 0 : i32
    %dma_start3A_102 = tpu.memref_slice %arg6[%dma_start3A_100, %dma_start3A_101] : memref<80x128xi32, #tpu.memory_space<vmem>> -> memref<1x128xi32, #tpu.memory_space<vmem>>
    %dma_start3A_103 = tpu.memref_squeeze %dma_start3A_102 : memref<1x128xi32, #tpu.memory_space<vmem>> -> memref<128xi32, #tpu.memory_space<vmem>>
    %dma_start3A_104 = arith.constant 0 : i32
    %dma_start3A_105 = arith.constant 0 : i32
    %dma_start3A_106 = tpu.memref_slice %arg8[%dma_start3A_104, %dma_start3A_105] : memref<10240x128xf32, #tpu.memory_space<vmem_shared>> -> memref<10240x128xf32, #tpu.memory_space<vmem_shared>>
    tpu.enqueue_indirect_dma source(%arg7 : memref<128x128xf32, #tpu.memory_space<vmem>>) target(%dma_start3A_106 : memref<10240x128xf32, #tpu.memory_space<vmem_shared>>) offsets(%dma_start3A_103 : memref<128xi32, #tpu.memory_space<vmem>>) semaphore(%arg9 : memref<!tpu.dma_semaphore, #tpu.memory_space<semaphore_mem>>) {add = true}
    %dma_start3A_107 = arith.constant 15 : i32
    %dma_start3A_108 = arith.constant 0 : i32
    %dma_start3A_109 = tpu.memref_slice %arg6[%dma_start3A_107, %dma_start3A_108] : memref<80x128xi32, #tpu.memory_space<vmem>> -> memref<1x128xi32, #tpu.memory_space<vmem>>
    %dma_start3A_110 = tpu.memref_squeeze %dma_start3A_109 : memref<1x128xi32, #tpu.memory_space<vmem>> -> memref<128xi32, #tpu.memory_space<vmem>>
    %dma_start3A_111 = arith.constant 0 : i32
    %dma_start3A_112 = arith.constant 0 : i32
    %dma_start3A_113 = tpu.memref_slice %arg8[%dma_start3A_111, %dma_start3A_112] : memref<10240x128xf32, #tpu.memory_space<vmem_shared>> -> memref<10240x128xf32, #tpu.memory_space<vmem_shared>>
    tpu.enqueue_indirect_dma source(%arg7 : memref<128x128xf32, #tpu.memory_space<vmem>>) target(%dma_start3A_113 : memref<10240x128xf32, #tpu.memory_space<vmem_shared>>) offsets(%dma_start3A_110 : memref<128xi32, #tpu.memory_space<vmem>>) semaphore(%arg9 : memref<!tpu.dma_semaphore, #tpu.memory_space<semaphore_mem>>) {add = true}
    %scan3A = arith.constant 0 : i32
    %scan3A_114 = arith.constant 0 : i32
    %scan3A_115 = arith.constant 64 : i32
    %scan3A_116 = arith.addi %scan3A_114, %scan3A_115 : i32
    %scan3A_117 = arith.constant 1 : i32
    scf.for %scan3A_126 = %scan3A_114 to %scan3A_116 step %scan3A_117  : i32 {
      %dma_wait3A = arith.constant 0 : i32
      %dma_wait3A_127 = tpu.memref_slice %arg6[%scan3A_126, %dma_wait3A] : memref<80x128xi32, #tpu.memory_space<vmem>> -> memref<1x128xi32, #tpu.memory_space<vmem>>
      %dma_wait3A_128 = tpu.memref_squeeze %dma_wait3A_127 : memref<1x128xi32, #tpu.memory_space<vmem>> -> memref<128xi32, #tpu.memory_space<vmem>>
      %dma_wait3A_129 = arith.constant 0 : i32
      %dma_wait3A_130 = arith.constant 0 : i32
      %dma_wait3A_131 = tpu.memref_slice %arg8[%dma_wait3A_129, %dma_wait3A_130] : memref<10240x128xf32, #tpu.memory_space<vmem_shared>> -> memref<10240x128xf32, #tpu.memory_space<vmem_shared>>
      tpu.wait_indirect_dma semaphore(%arg9 : memref<!tpu.dma_semaphore, #tpu.memory_space<semaphore_mem>>) src(%arg7 : memref<128x128xf32, #tpu.memory_space<vmem>>) dst(%dma_wait3A_131 : memref<10240x128xf32, #tpu.memory_space<vmem_shared>>)
      %add3A_132 = arith.constant 16 : i32
      %add3A_133 = arith.addi %scan3A_126, %add3A_132 : i32
      %dma_start3A_134 = arith.constant 0 : i32
      %dma_start3A_135 = tpu.memref_slice %arg6[%add3A_133, %dma_start3A_134] : memref<80x128xi32, #tpu.memory_space<vmem>> -> memref<1x128xi32, #tpu.memory_space<vmem>>
      %dma_start3A_136 = tpu.memref_squeeze %dma_start3A_135 : memref<1x128xi32, #tpu.memory_space<vmem>> -> memref<128xi32, #tpu.memory_space<vmem>>
      %dma_start3A_137 = arith.constant 0 : i32
      %dma_start3A_138 = arith.constant 0 : i32
      %dma_start3A_139 = tpu.memref_slice %arg8[%dma_start3A_137, %dma_start3A_138] : memref<10240x128xf32, #tpu.memory_space<vmem_shared>> -> memref<10240x128xf32, #tpu.memory_space<vmem_shared>>
      tpu.enqueue_indirect_dma source(%arg7 : memref<128x128xf32, #tpu.memory_space<vmem>>) target(%dma_start3A_139 : memref<10240x128xf32, #tpu.memory_space<vmem_shared>>) offsets(%dma_start3A_136 : memref<128xi32, #tpu.memory_space<vmem>>) semaphore(%arg9 : memref<!tpu.dma_semaphore, #tpu.memory_space<semaphore_mem>>) {add = true}
    }
    %scan3A_118 = arith.constant 64 : i32
    %scan3A_119 = arith.constant 0 : i32
    %scan3A_120 = arith.constant 64 : i32
    %scan3A_121 = arith.constant 16 : i32
    %scan3A_122 = arith.addi %scan3A_120, %scan3A_121 : i32
    %scan3A_123 = arith.constant 1 : i32
    scf.for %scan3A_126 = %scan3A_120 to %scan3A_122 step %scan3A_123  : i32 {
      %dma_wait3A = arith.constant 0 : i32
      %dma_wait3A_127 = tpu.memref_slice %arg6[%scan3A_126, %dma_wait3A] : memref<80x128xi32, #tpu.memory_space<vmem>> -> memref<1x128xi32, #tpu.memory_space<vmem>>
      %dma_wait3A_128 = tpu.memref_squeeze %dma_wait3A_127 : memref<1x128xi32, #tpu.memory_space<vmem>> -> memref<128xi32, #tpu.memory_space<vmem>>
      %dma_wait3A_129 = arith.constant 0 : i32
      %dma_wait3A_130 = arith.constant 0 : i32
      %dma_wait3A_131 = tpu.memref_slice %arg8[%dma_wait3A_129, %dma_wait3A_130] : memref<10240x128xf32, #tpu.memory_space<vmem_shared>> -> memref<10240x128xf32, #tpu.memory_space<vmem_shared>>
      tpu.wait_indirect_dma semaphore(%arg9 : memref<!tpu.dma_semaphore, #tpu.memory_space<semaphore_mem>>) src(%arg7 : memref<128x128xf32, #tpu.memory_space<vmem>>) dst(%dma_wait3A_131 : memref<10240x128xf32, #tpu.memory_space<vmem_shared>>)
    }
    %scan3A_124 = arith.constant 16 : i32
    %barrier3A_125 = arith.constant 0 : index
    tpu.barrier barrier_id(%barrier3A_125)
    "tpu.region"() ({
      %run_scoped3A = tpu.sem_alloc : memref<!tpu.dma_semaphore, #tpu.memory_space<semaphore_mem>>
      %dma_start3A_126 = arith.constant 0 : i32
      %dma_start3A_127 = tpu.memref_slice %arg5[%arg0, %mul3A_2, %dma_start3A_126] : memref<2x10240x128xf32, #tpu.memory_space<hbm>> -> memref<1x640x128xf32, #tpu.memory_space<hbm>>
      %dma_start3A_128 = tpu.memref_squeeze %dma_start3A_127 : memref<1x640x128xf32, #tpu.memory_space<hbm>> -> memref<640x128xf32, #tpu.memory_space<hbm>>
      %dma_start3A_129 = arith.constant 0 : i32
      %dma_start3A_130 = tpu.memref_slice %arg8[%mul3A_2, %dma_start3A_129] : memref<10240x128xf32, #tpu.memory_space<vmem_shared>> -> memref<640x128xf32, #tpu.memory_space<vmem_shared>>
      tpu.enqueue_dma source(%dma_start3A_130 : memref<640x128xf32, #tpu.memory_space<vmem_shared>>) target(%dma_start3A_128 : memref<640x128xf32, #tpu.memory_space<hbm>>) target_semaphore(%run_scoped3A : memref<!tpu.dma_semaphore, #tpu.memory_space<semaphore_mem>>)
      %dma_wait3A = arith.constant 0 : i32
      %dma_wait3A_131 = tpu.memref_slice %arg5[%arg0, %mul3A_2, %dma_wait3A] : memref<2x10240x128xf32, #tpu.memory_space<hbm>> -> memref<1x640x128xf32, #tpu.memory_space<hbm>>
      %dma_wait3A_132 = tpu.memref_squeeze %dma_wait3A_131 : memref<1x640x128xf32, #tpu.memory_space<hbm>> -> memref<640x128xf32, #tpu.memory_space<hbm>>
      %dma_wait3A_133 = arith.constant 0 : i32
      %dma_wait3A_134 = tpu.memref_slice %arg8[%mul3A_2, %dma_wait3A_133] : memref<10240x128xf32, #tpu.memory_space<vmem_shared>> -> memref<640x128xf32, #tpu.memory_space<vmem_shared>>
      tpu.wait_dma2 semaphore(%run_scoped3A : memref<!tpu.dma_semaphore, #tpu.memory_space<semaphore_mem>>) src(%dma_wait3A_134 : memref<640x128xf32, #tpu.memory_space<vmem_shared>>) dst(%dma_wait3A_132 : memref<640x128xf32, #tpu.memory_space<hbm>>)
      tpu.yield
    }) : () -> ()
    return
  }
}

#map = affine_map<(d0, d1) -> (0, 0)>
#map1 = affine_map<(d0, d1) -> (0, 0, 0)>
module attributes {stable_mosaic.version = 14 : i64} {
  func.func @_aggregate_kernel(%arg0: i32, %arg1: i32, %arg2: memref<10240x128xf32, #tpu.memory_space<hbm>>, %arg3: memref<32x80x128xi32, #tpu.memory_space<hbm>>, %arg4: memref<32x80x128xi32, #tpu.memory_space<hbm>>, %arg5: memref<640x128xf32, #tpu.memory_space<hbm>>, %arg6: memref<2x10240x128xf32, #tpu.memory_space<hbm>>, %arg7: memref<80x128xi32, #tpu.memory_space<vmem>>, %arg8: memref<128xi32, #tpu.memory_space<vmem>>, %arg9: memref<128xi32, #tpu.memory_space<vmem>>, %arg10: memref<128x128xf32, #tpu.memory_space<vmem>>, %arg11: memref<128x128xf32, #tpu.memory_space<vmem>>, %arg12: memref<10240x128xf32, #tpu.memory_space<vmem_shared>>, %arg13: memref<!tpu.dma_semaphore, #tpu.memory_space<semaphore_mem>>, %arg14: memref<!tpu.dma_semaphore, #tpu.memory_space<semaphore_mem>>, %arg15: memref<!tpu.dma_semaphore, #tpu.memory_space<semaphore_mem>>, %arg16: memref<!tpu.dma_semaphore, #tpu.memory_space<semaphore_mem>>) attributes {dimension_semantics = [#tpu.dimension_semantics<core_parallel>, #tpu.dimension_semantics<subcore_parallel>], iteration_bounds = array<i64: 2, 16>, scalar_prefetch = 0 : i64, scratch_operands = 10 : i64, tpu.core_type = #tpu.core_type<sc_vector_subcore>, window_params = [{transform_indices = #map}, {transform_indices = #map1}, {transform_indices = #map1}, {transform_indices = #map}, {transform_indices = #map1}]} {
    %mul3A = arith.constant 2 : i32
    %mul3A_0 = arith.muli %arg1, %mul3A : i32
    %add3A = arith.addi %mul3A_0, %arg0 : i32
    %mul3A_1 = arith.constant 640 : i32
    %mul3A_2 = arith.muli %arg1, %mul3A_1 : i32
    "tpu.region"() ({
      %run_scoped3A = tpu.sem_alloc : memref<!tpu.dma_semaphore, #tpu.memory_space<semaphore_mem>>
      %dma_start3A_63 = arith.constant 0 : i32
      %dma_start3A_64 = tpu.memref_slice %arg12[%mul3A_2, %dma_start3A_63] : memref<10240x128xf32, #tpu.memory_space<vmem_shared>> -> memref<640x128xf32, #tpu.memory_space<vmem_shared>>
      tpu.enqueue_dma source(%arg5 : memref<640x128xf32, #tpu.memory_space<hbm>>) target(%dma_start3A_64 : memref<640x128xf32, #tpu.memory_space<vmem_shared>>) target_semaphore(%run_scoped3A : memref<!tpu.dma_semaphore, #tpu.memory_space<semaphore_mem>>)
      %dma_wait3A_65 = arith.constant 0 : i32
      %dma_wait3A_66 = tpu.memref_slice %arg12[%mul3A_2, %dma_wait3A_65] : memref<10240x128xf32, #tpu.memory_space<vmem_shared>> -> memref<640x128xf32, #tpu.memory_space<vmem_shared>>
      tpu.wait_dma2 semaphore(%run_scoped3A : memref<!tpu.dma_semaphore, #tpu.memory_space<semaphore_mem>>) src(%arg5 : memref<640x128xf32, #tpu.memory_space<hbm>>) dst(%dma_wait3A_66 : memref<640x128xf32, #tpu.memory_space<vmem_shared>>)
      tpu.yield
    }) : () -> ()
    "tpu.region"() ({
      %run_scoped3A = tpu.sem_alloc : memref<!tpu.dma_semaphore, #tpu.memory_space<semaphore_mem>>
      %dma_start3A_63 = arith.constant 0 : i32
      %dma_start3A_64 = arith.constant 0 : i32
      %dma_start3A_65 = tpu.memref_slice %arg3[%add3A, %dma_start3A_63, %dma_start3A_64] : memref<32x80x128xi32, #tpu.memory_space<hbm>> -> memref<1x80x128xi32, #tpu.memory_space<hbm>>
      %dma_start3A_66 = tpu.memref_squeeze %dma_start3A_65 : memref<1x80x128xi32, #tpu.memory_space<hbm>> -> memref<80x128xi32, #tpu.memory_space<hbm>>
      %dma_start3A_67 = arith.constant 0 : i32
      %dma_start3A_68 = arith.constant 0 : i32
      %dma_start3A_69 = tpu.memref_slice %arg3[%add3A, %dma_start3A_67, %dma_start3A_68] : memref<32x80x128xi32, #tpu.memory_space<hbm>> -> memref<1x80x128xi32, #tpu.memory_space<hbm>>
      %dma_start3A_70 = tpu.memref_squeeze %dma_start3A_69 : memref<1x80x128xi32, #tpu.memory_space<hbm>> -> memref<80x128xi32, #tpu.memory_space<hbm>>
      tpu.enqueue_dma source(%dma_start3A_70 : memref<80x128xi32, #tpu.memory_space<hbm>>) target(%arg7 : memref<80x128xi32, #tpu.memory_space<vmem>>) target_semaphore(%run_scoped3A : memref<!tpu.dma_semaphore, #tpu.memory_space<semaphore_mem>>)
      %dma_wait3A_71 = arith.constant 0 : i32
      %dma_wait3A_72 = arith.constant 0 : i32
      %dma_wait3A_73 = tpu.memref_slice %arg3[%add3A, %dma_wait3A_71, %dma_wait3A_72] : memref<32x80x128xi32, #tpu.memory_space<hbm>> -> memref<1x80x128xi32, #tpu.memory_space<hbm>>
      %dma_wait3A_74 = tpu.memref_squeeze %dma_wait3A_73 : memref<1x80x128xi32, #tpu.memory_space<hbm>> -> memref<80x128xi32, #tpu.memory_space<hbm>>
      %dma_wait3A_75 = arith.constant 0 : i32
      %dma_wait3A_76 = arith.constant 0 : i32
      %dma_wait3A_77 = tpu.memref_slice %arg3[%add3A, %dma_wait3A_75, %dma_wait3A_76] : memref<32x80x128xi32, #tpu.memory_space<hbm>> -> memref<1x80x128xi32, #tpu.memory_space<hbm>>
      %dma_wait3A_78 = tpu.memref_squeeze %dma_wait3A_77 : memref<1x80x128xi32, #tpu.memory_space<hbm>> -> memref<80x128xi32, #tpu.memory_space<hbm>>
      tpu.wait_dma2 semaphore(%run_scoped3A : memref<!tpu.dma_semaphore, #tpu.memory_space<semaphore_mem>>) src(%dma_wait3A_78 : memref<80x128xi32, #tpu.memory_space<hbm>>) dst(%arg7 : memref<80x128xi32, #tpu.memory_space<vmem>>)
      tpu.yield
    }) : () -> ()
    %barrier3A = arith.constant 0 : index
    tpu.barrier barrier_id(%barrier3A)
    %dma_start3A = arith.constant 0 : i32
    %dma_start3A_3 = arith.constant 0 : i32
    %dma_start3A_4 = tpu.memref_slice %arg4[%add3A, %dma_start3A, %dma_start3A_3] : memref<32x80x128xi32, #tpu.memory_space<hbm>> -> memref<1x1x128xi32, #tpu.memory_space<hbm>>
    %dma_start3A_5 = tpu.memref_squeeze %dma_start3A_4 : memref<1x1x128xi32, #tpu.memory_space<hbm>> -> memref<128xi32, #tpu.memory_space<hbm>>
    %dma_start3A_6 = arith.constant 0 : i32
    %dma_start3A_7 = tpu.memref_slice %arg4[%add3A, %dma_start3A, %dma_start3A_6] : memref<32x80x128xi32, #tpu.memory_space<hbm>> -> memref<1x1x128xi32, #tpu.memory_space<hbm>>
    %dma_start3A_8 = tpu.memref_squeeze %dma_start3A_7 : memref<1x1x128xi32, #tpu.memory_space<hbm>> -> memref<128xi32, #tpu.memory_space<hbm>>
    tpu.enqueue_dma source(%dma_start3A_8 : memref<128xi32, #tpu.memory_space<hbm>>) target(%arg8 : memref<128xi32, #tpu.memory_space<vmem>>) target_semaphore(%arg13 : memref<!tpu.dma_semaphore, #tpu.memory_space<semaphore_mem>>)
    %dma_start3A_9 = arith.constant 0 : i32
    %dma_start3A_10 = arith.constant 0 : i32
    %dma_start3A_11 = tpu.memref_slice %arg7[%dma_start3A_9, %dma_start3A_10] : memref<80x128xi32, #tpu.memory_space<vmem>> -> memref<1x128xi32, #tpu.memory_space<vmem>>
    %dma_start3A_12 = tpu.memref_squeeze %dma_start3A_11 : memref<1x128xi32, #tpu.memory_space<vmem>> -> memref<128xi32, #tpu.memory_space<vmem>>
    %dma_start3A_13 = arith.constant 0 : i32
    %dma_start3A_14 = arith.constant 0 : i32
    %dma_start3A_15 = tpu.memref_slice %arg2[%dma_start3A_13, %dma_start3A_14] : memref<10240x128xf32, #tpu.memory_space<hbm>> -> memref<10240x128xf32, #tpu.memory_space<hbm>>
    tpu.enqueue_indirect_dma source(%dma_start3A_15 : memref<10240x128xf32, #tpu.memory_space<hbm>>) target(%arg10 : memref<128x128xf32, #tpu.memory_space<vmem>>) offsets(%dma_start3A_12 : memref<128xi32, #tpu.memory_space<vmem>>) semaphore(%arg15 : memref<!tpu.dma_semaphore, #tpu.memory_space<semaphore_mem>>)
    %dma_start3A_16 = arith.constant 1 : i32
    %dma_start3A_17 = arith.constant 0 : i32
    %dma_start3A_18 = tpu.memref_slice %arg4[%add3A, %dma_start3A_16, %dma_start3A_17] : memref<32x80x128xi32, #tpu.memory_space<hbm>> -> memref<1x1x128xi32, #tpu.memory_space<hbm>>
    %dma_start3A_19 = tpu.memref_squeeze %dma_start3A_18 : memref<1x1x128xi32, #tpu.memory_space<hbm>> -> memref<128xi32, #tpu.memory_space<hbm>>
    %dma_start3A_20 = arith.constant 0 : i32
    %dma_start3A_21 = tpu.memref_slice %arg4[%add3A, %dma_start3A_16, %dma_start3A_20] : memref<32x80x128xi32, #tpu.memory_space<hbm>> -> memref<1x1x128xi32, #tpu.memory_space<hbm>>
    %dma_start3A_22 = tpu.memref_squeeze %dma_start3A_21 : memref<1x1x128xi32, #tpu.memory_space<hbm>> -> memref<128xi32, #tpu.memory_space<hbm>>
    tpu.enqueue_dma source(%dma_start3A_22 : memref<128xi32, #tpu.memory_space<hbm>>) target(%arg9 : memref<128xi32, #tpu.memory_space<vmem>>) target_semaphore(%arg14 : memref<!tpu.dma_semaphore, #tpu.memory_space<semaphore_mem>>)
    %dma_start3A_23 = arith.constant 1 : i32
    %dma_start3A_24 = arith.constant 0 : i32
    %dma_start3A_25 = tpu.memref_slice %arg7[%dma_start3A_23, %dma_start3A_24] : memref<80x128xi32, #tpu.memory_space<vmem>> -> memref<1x128xi32, #tpu.memory_space<vmem>>
    %dma_start3A_26 = tpu.memref_squeeze %dma_start3A_25 : memref<1x128xi32, #tpu.memory_space<vmem>> -> memref<128xi32, #tpu.memory_space<vmem>>
    %dma_start3A_27 = arith.constant 0 : i32
    %dma_start3A_28 = arith.constant 0 : i32
    %dma_start3A_29 = tpu.memref_slice %arg2[%dma_start3A_27, %dma_start3A_28] : memref<10240x128xf32, #tpu.memory_space<hbm>> -> memref<10240x128xf32, #tpu.memory_space<hbm>>
    tpu.enqueue_indirect_dma source(%dma_start3A_29 : memref<10240x128xf32, #tpu.memory_space<hbm>>) target(%arg11 : memref<128x128xf32, #tpu.memory_space<vmem>>) offsets(%dma_start3A_26 : memref<128xi32, #tpu.memory_space<vmem>>) semaphore(%arg16 : memref<!tpu.dma_semaphore, #tpu.memory_space<semaphore_mem>>)
    %scan3A = arith.constant 0 : i32
    %scan3A_30 = arith.constant 0 : i32
    %scan3A_31 = arith.constant 39 : i32
    %scan3A_32 = arith.addi %scan3A_30, %scan3A_31 : i32
    %scan3A_33 = arith.constant 1 : i32
    scf.for %scan3A_63 = %scan3A_30 to %scan3A_32 step %scan3A_33  : i32 {
      %mul3A_64 = arith.constant 2 : i32
      %mul3A_65 = arith.muli %scan3A_63, %mul3A_64 : i32
      %add3A_66 = arith.constant 0 : i32
      %add3A_67 = arith.addi %mul3A_65, %add3A_66 : i32
      %dma_wait3A_68 = arith.constant 0 : i32
      %dma_wait3A_69 = tpu.memref_slice %arg4[%add3A, %add3A_67, %dma_wait3A_68] : memref<32x80x128xi32, #tpu.memory_space<hbm>> -> memref<1x1x128xi32, #tpu.memory_space<hbm>>
      %dma_wait3A_70 = tpu.memref_squeeze %dma_wait3A_69 : memref<1x1x128xi32, #tpu.memory_space<hbm>> -> memref<128xi32, #tpu.memory_space<hbm>>
      %dma_wait3A_71 = arith.constant 0 : i32
      %dma_wait3A_72 = tpu.memref_slice %arg4[%add3A, %add3A_67, %dma_wait3A_71] : memref<32x80x128xi32, #tpu.memory_space<hbm>> -> memref<1x1x128xi32, #tpu.memory_space<hbm>>
      %dma_wait3A_73 = tpu.memref_squeeze %dma_wait3A_72 : memref<1x1x128xi32, #tpu.memory_space<hbm>> -> memref<128xi32, #tpu.memory_space<hbm>>
      tpu.wait_dma2 semaphore(%arg13 : memref<!tpu.dma_semaphore, #tpu.memory_space<semaphore_mem>>) src(%dma_wait3A_73 : memref<128xi32, #tpu.memory_space<hbm>>) dst(%arg8 : memref<128xi32, #tpu.memory_space<vmem>>)
      %dma_wait3A_74 = arith.constant 0 : i32
      %dma_wait3A_75 = tpu.memref_slice %arg7[%add3A_67, %dma_wait3A_74] : memref<80x128xi32, #tpu.memory_space<vmem>> -> memref<1x128xi32, #tpu.memory_space<vmem>>
      %dma_wait3A_76 = tpu.memref_squeeze %dma_wait3A_75 : memref<1x128xi32, #tpu.memory_space<vmem>> -> memref<128xi32, #tpu.memory_space<vmem>>
      %dma_wait3A_77 = arith.constant 0 : i32
      %dma_wait3A_78 = arith.constant 0 : i32
      %dma_wait3A_79 = tpu.memref_slice %arg2[%dma_wait3A_77, %dma_wait3A_78] : memref<10240x128xf32, #tpu.memory_space<hbm>> -> memref<10240x128xf32, #tpu.memory_space<hbm>>
      tpu.wait_indirect_dma semaphore(%arg15 : memref<!tpu.dma_semaphore, #tpu.memory_space<semaphore_mem>>) src(%dma_wait3A_79 : memref<10240x128xf32, #tpu.memory_space<hbm>>) dst(%arg10 : memref<128x128xf32, #tpu.memory_space<vmem>>)
      "tpu.region"() ({
        %run_scoped3A = tpu.sem_alloc : memref<!tpu.dma_semaphore, #tpu.memory_space<semaphore_mem>>
        %dma_start3A_128 = arith.constant 0 : i32
        %dma_start3A_129 = arith.constant 0 : i32
        %dma_start3A_130 = tpu.memref_slice %arg12[%dma_start3A_128, %dma_start3A_129] : memref<10240x128xf32, #tpu.memory_space<vmem_shared>> -> memref<10240x128xf32, #tpu.memory_space<vmem_shared>>
        tpu.enqueue_indirect_dma source(%arg10 : memref<128x128xf32, #tpu.memory_space<vmem>>) target(%dma_start3A_130 : memref<10240x128xf32, #tpu.memory_space<vmem_shared>>) offsets(%arg8 : memref<128xi32, #tpu.memory_space<vmem>>) semaphore(%run_scoped3A : memref<!tpu.dma_semaphore, #tpu.memory_space<semaphore_mem>>) {add = true}
        %dma_wait3A_131 = arith.constant 0 : i32
        %dma_wait3A_132 = arith.constant 0 : i32
        %dma_wait3A_133 = tpu.memref_slice %arg12[%dma_wait3A_131, %dma_wait3A_132] : memref<10240x128xf32, #tpu.memory_space<vmem_shared>> -> memref<10240x128xf32, #tpu.memory_space<vmem_shared>>
        tpu.wait_indirect_dma semaphore(%run_scoped3A : memref<!tpu.dma_semaphore, #tpu.memory_space<semaphore_mem>>) src(%arg10 : memref<128x128xf32, #tpu.memory_space<vmem>>) dst(%dma_wait3A_133 : memref<10240x128xf32, #tpu.memory_space<vmem_shared>>)
        tpu.yield
      }) : () -> ()
      %add3A_80 = arith.constant 2 : i32
      %add3A_81 = arith.addi %add3A_67, %add3A_80 : i32
      %dma_start3A_82 = arith.constant 0 : i32
      %dma_start3A_83 = tpu.memref_slice %arg4[%add3A, %add3A_81, %dma_start3A_82] : memref<32x80x128xi32, #tpu.memory_space<hbm>> -> memref<1x1x128xi32, #tpu.memory_space<hbm>>
      %dma_start3A_84 = tpu.memref_squeeze %dma_start3A_83 : memref<1x1x128xi32, #tpu.memory_space<hbm>> -> memref<128xi32, #tpu.memory_space<hbm>>
      %dma_start3A_85 = arith.constant 0 : i32
      %dma_start3A_86 = tpu.memref_slice %arg4[%add3A, %add3A_81, %dma_start3A_85] : memref<32x80x128xi32, #tpu.memory_space<hbm>> -> memref<1x1x128xi32, #tpu.memory_space<hbm>>
      %dma_start3A_87 = tpu.memref_squeeze %dma_start3A_86 : memref<1x1x128xi32, #tpu.memory_space<hbm>> -> memref<128xi32, #tpu.memory_space<hbm>>
      tpu.enqueue_dma source(%dma_start3A_87 : memref<128xi32, #tpu.memory_space<hbm>>) target(%arg8 : memref<128xi32, #tpu.memory_space<vmem>>) target_semaphore(%arg13 : memref<!tpu.dma_semaphore, #tpu.memory_space<semaphore_mem>>)
      %add3A_88 = arith.constant 2 : i32
      %add3A_89 = arith.addi %add3A_67, %add3A_88 : i32
      %dma_start3A_90 = arith.constant 0 : i32
      %dma_start3A_91 = tpu.memref_slice %arg7[%add3A_89, %dma_start3A_90] : memref<80x128xi32, #tpu.memory_space<vmem>> -> memref<1x128xi32, #tpu.memory_space<vmem>>
      %dma_start3A_92 = tpu.memref_squeeze %dma_start3A_91 : memref<1x128xi32, #tpu.memory_space<vmem>> -> memref<128xi32, #tpu.memory_space<vmem>>
      %dma_start3A_93 = arith.constant 0 : i32
      %dma_start3A_94 = arith.constant 0 : i32
      %dma_start3A_95 = tpu.memref_slice %arg2[%dma_start3A_93, %dma_start3A_94] : memref<10240x128xf32, #tpu.memory_space<hbm>> -> memref<10240x128xf32, #tpu.memory_space<hbm>>
      tpu.enqueue_indirect_dma source(%dma_start3A_95 : memref<10240x128xf32, #tpu.memory_space<hbm>>) target(%arg10 : memref<128x128xf32, #tpu.memory_space<vmem>>) offsets(%dma_start3A_92 : memref<128xi32, #tpu.memory_space<vmem>>) semaphore(%arg15 : memref<!tpu.dma_semaphore, #tpu.memory_space<semaphore_mem>>)
      %mul3A_96 = arith.constant 2 : i32
      %mul3A_97 = arith.muli %scan3A_63, %mul3A_96 : i32
      %add3A_98 = arith.constant 1 : i32
      %add3A_99 = arith.addi %mul3A_97, %add3A_98 : i32
      %dma_wait3A_100 = arith.constant 0 : i32
      %dma_wait3A_101 = tpu.memref_slice %arg4[%add3A, %add3A_99, %dma_wait3A_100] : memref<32x80x128xi32, #tpu.memory_space<hbm>> -> memref<1x1x128xi32, #tpu.memory_space<hbm>>
      %dma_wait3A_102 = tpu.memref_squeeze %dma_wait3A_101 : memref<1x1x128xi32, #tpu.memory_space<hbm>> -> memref<128xi32, #tpu.memory_space<hbm>>
      %dma_wait3A_103 = arith.constant 0 : i32
      %dma_wait3A_104 = tpu.memref_slice %arg4[%add3A, %add3A_99, %dma_wait3A_103] : memref<32x80x128xi32, #tpu.memory_space<hbm>> -> memref<1x1x128xi32, #tpu.memory_space<hbm>>
      %dma_wait3A_105 = tpu.memref_squeeze %dma_wait3A_104 : memref<1x1x128xi32, #tpu.memory_space<hbm>> -> memref<128xi32, #tpu.memory_space<hbm>>
      tpu.wait_dma2 semaphore(%arg14 : memref<!tpu.dma_semaphore, #tpu.memory_space<semaphore_mem>>) src(%dma_wait3A_105 : memref<128xi32, #tpu.memory_space<hbm>>) dst(%arg9 : memref<128xi32, #tpu.memory_space<vmem>>)
      %dma_wait3A_106 = arith.constant 0 : i32
      %dma_wait3A_107 = tpu.memref_slice %arg7[%add3A_99, %dma_wait3A_106] : memref<80x128xi32, #tpu.memory_space<vmem>> -> memref<1x128xi32, #tpu.memory_space<vmem>>
      %dma_wait3A_108 = tpu.memref_squeeze %dma_wait3A_107 : memref<1x128xi32, #tpu.memory_space<vmem>> -> memref<128xi32, #tpu.memory_space<vmem>>
      %dma_wait3A_109 = arith.constant 0 : i32
      %dma_wait3A_110 = arith.constant 0 : i32
      %dma_wait3A_111 = tpu.memref_slice %arg2[%dma_wait3A_109, %dma_wait3A_110] : memref<10240x128xf32, #tpu.memory_space<hbm>> -> memref<10240x128xf32, #tpu.memory_space<hbm>>
      tpu.wait_indirect_dma semaphore(%arg16 : memref<!tpu.dma_semaphore, #tpu.memory_space<semaphore_mem>>) src(%dma_wait3A_111 : memref<10240x128xf32, #tpu.memory_space<hbm>>) dst(%arg11 : memref<128x128xf32, #tpu.memory_space<vmem>>)
      "tpu.region"() ({
        %run_scoped3A = tpu.sem_alloc : memref<!tpu.dma_semaphore, #tpu.memory_space<semaphore_mem>>
        %dma_start3A_128 = arith.constant 0 : i32
        %dma_start3A_129 = arith.constant 0 : i32
        %dma_start3A_130 = tpu.memref_slice %arg12[%dma_start3A_128, %dma_start3A_129] : memref<10240x128xf32, #tpu.memory_space<vmem_shared>> -> memref<10240x128xf32, #tpu.memory_space<vmem_shared>>
        tpu.enqueue_indirect_dma source(%arg11 : memref<128x128xf32, #tpu.memory_space<vmem>>) target(%dma_start3A_130 : memref<10240x128xf32, #tpu.memory_space<vmem_shared>>) offsets(%arg9 : memref<128xi32, #tpu.memory_space<vmem>>) semaphore(%run_scoped3A : memref<!tpu.dma_semaphore, #tpu.memory_space<semaphore_mem>>) {add = true}
        %dma_wait3A_131 = arith.constant 0 : i32
        %dma_wait3A_132 = arith.constant 0 : i32
        %dma_wait3A_133 = tpu.memref_slice %arg12[%dma_wait3A_131, %dma_wait3A_132] : memref<10240x128xf32, #tpu.memory_space<vmem_shared>> -> memref<10240x128xf32, #tpu.memory_space<vmem_shared>>
        tpu.wait_indirect_dma semaphore(%run_scoped3A : memref<!tpu.dma_semaphore, #tpu.memory_space<semaphore_mem>>) src(%arg11 : memref<128x128xf32, #tpu.memory_space<vmem>>) dst(%dma_wait3A_133 : memref<10240x128xf32, #tpu.memory_space<vmem_shared>>)
        tpu.yield
      }) : () -> ()
      %add3A_112 = arith.constant 2 : i32
      %add3A_113 = arith.addi %add3A_99, %add3A_112 : i32
      %dma_start3A_114 = arith.constant 0 : i32
      %dma_start3A_115 = tpu.memref_slice %arg4[%add3A, %add3A_113, %dma_start3A_114] : memref<32x80x128xi32, #tpu.memory_space<hbm>> -> memref<1x1x128xi32, #tpu.memory_space<hbm>>
      %dma_start3A_116 = tpu.memref_squeeze %dma_start3A_115 : memref<1x1x128xi32, #tpu.memory_space<hbm>> -> memref<128xi32, #tpu.memory_space<hbm>>
      %dma_start3A_117 = arith.constant 0 : i32
      %dma_start3A_118 = tpu.memref_slice %arg4[%add3A, %add3A_113, %dma_start3A_117] : memref<32x80x128xi32, #tpu.memory_space<hbm>> -> memref<1x1x128xi32, #tpu.memory_space<hbm>>
      %dma_start3A_119 = tpu.memref_squeeze %dma_start3A_118 : memref<1x1x128xi32, #tpu.memory_space<hbm>> -> memref<128xi32, #tpu.memory_space<hbm>>
      tpu.enqueue_dma source(%dma_start3A_119 : memref<128xi32, #tpu.memory_space<hbm>>) target(%arg9 : memref<128xi32, #tpu.memory_space<vmem>>) target_semaphore(%arg14 : memref<!tpu.dma_semaphore, #tpu.memory_space<semaphore_mem>>)
      %add3A_120 = arith.constant 2 : i32
      %add3A_121 = arith.addi %add3A_99, %add3A_120 : i32
      %dma_start3A_122 = arith.constant 0 : i32
      %dma_start3A_123 = tpu.memref_slice %arg7[%add3A_121, %dma_start3A_122] : memref<80x128xi32, #tpu.memory_space<vmem>> -> memref<1x128xi32, #tpu.memory_space<vmem>>
      %dma_start3A_124 = tpu.memref_squeeze %dma_start3A_123 : memref<1x128xi32, #tpu.memory_space<vmem>> -> memref<128xi32, #tpu.memory_space<vmem>>
      %dma_start3A_125 = arith.constant 0 : i32
      %dma_start3A_126 = arith.constant 0 : i32
      %dma_start3A_127 = tpu.memref_slice %arg2[%dma_start3A_125, %dma_start3A_126] : memref<10240x128xf32, #tpu.memory_space<hbm>> -> memref<10240x128xf32, #tpu.memory_space<hbm>>
      tpu.enqueue_indirect_dma source(%dma_start3A_127 : memref<10240x128xf32, #tpu.memory_space<hbm>>) target(%arg11 : memref<128x128xf32, #tpu.memory_space<vmem>>) offsets(%dma_start3A_124 : memref<128xi32, #tpu.memory_space<vmem>>) semaphore(%arg16 : memref<!tpu.dma_semaphore, #tpu.memory_space<semaphore_mem>>)
    }
    %scan3A_34 = arith.constant 39 : i32
    %dma_wait3A = arith.constant 78 : i32
    %dma_wait3A_35 = arith.constant 0 : i32
    %dma_wait3A_36 = tpu.memref_slice %arg4[%add3A, %dma_wait3A, %dma_wait3A_35] : memref<32x80x128xi32, #tpu.memory_space<hbm>> -> memref<1x1x128xi32, #tpu.memory_space<hbm>>
    %dma_wait3A_37 = tpu.memref_squeeze %dma_wait3A_36 : memref<1x1x128xi32, #tpu.memory_space<hbm>> -> memref<128xi32, #tpu.memory_space<hbm>>
    %dma_wait3A_38 = arith.constant 0 : i32
    %dma_wait3A_39 = tpu.memref_slice %arg4[%add3A, %dma_wait3A, %dma_wait3A_38] : memref<32x80x128xi32, #tpu.memory_space<hbm>> -> memref<1x1x128xi32, #tpu.memory_space<hbm>>
    %dma_wait3A_40 = tpu.memref_squeeze %dma_wait3A_39 : memref<1x1x128xi32, #tpu.memory_space<hbm>> -> memref<128xi32, #tpu.memory_space<hbm>>
    tpu.wait_dma2 semaphore(%arg13 : memref<!tpu.dma_semaphore, #tpu.memory_space<semaphore_mem>>) src(%dma_wait3A_40 : memref<128xi32, #tpu.memory_space<hbm>>) dst(%arg8 : memref<128xi32, #tpu.memory_space<vmem>>)
    %dma_wait3A_41 = arith.constant 78 : i32
    %dma_wait3A_42 = arith.constant 0 : i32
    %dma_wait3A_43 = tpu.memref_slice %arg7[%dma_wait3A_41, %dma_wait3A_42] : memref<80x128xi32, #tpu.memory_space<vmem>> -> memref<1x128xi32, #tpu.memory_space<vmem>>
    %dma_wait3A_44 = tpu.memref_squeeze %dma_wait3A_43 : memref<1x128xi32, #tpu.memory_space<vmem>> -> memref<128xi32, #tpu.memory_space<vmem>>
    %dma_wait3A_45 = arith.constant 0 : i32
    %dma_wait3A_46 = arith.constant 0 : i32
    %dma_wait3A_47 = tpu.memref_slice %arg2[%dma_wait3A_45, %dma_wait3A_46] : memref<10240x128xf32, #tpu.memory_space<hbm>> -> memref<10240x128xf32, #tpu.memory_space<hbm>>
    tpu.wait_indirect_dma semaphore(%arg15 : memref<!tpu.dma_semaphore, #tpu.memory_space<semaphore_mem>>) src(%dma_wait3A_47 : memref<10240x128xf32, #tpu.memory_space<hbm>>) dst(%arg10 : memref<128x128xf32, #tpu.memory_space<vmem>>)
    "tpu.region"() ({
      %run_scoped3A = tpu.sem_alloc : memref<!tpu.dma_semaphore, #tpu.memory_space<semaphore_mem>>
      %dma_start3A_63 = arith.constant 0 : i32
      %dma_start3A_64 = arith.constant 0 : i32
      %dma_start3A_65 = tpu.memref_slice %arg12[%dma_start3A_63, %dma_start3A_64] : memref<10240x128xf32, #tpu.memory_space<vmem_shared>> -> memref<10240x128xf32, #tpu.memory_space<vmem_shared>>
      tpu.enqueue_indirect_dma source(%arg10 : memref<128x128xf32, #tpu.memory_space<vmem>>) target(%dma_start3A_65 : memref<10240x128xf32, #tpu.memory_space<vmem_shared>>) offsets(%arg8 : memref<128xi32, #tpu.memory_space<vmem>>) semaphore(%run_scoped3A : memref<!tpu.dma_semaphore, #tpu.memory_space<semaphore_mem>>) {add = true}
      %dma_wait3A_66 = arith.constant 0 : i32
      %dma_wait3A_67 = arith.constant 0 : i32
      %dma_wait3A_68 = tpu.memref_slice %arg12[%dma_wait3A_66, %dma_wait3A_67] : memref<10240x128xf32, #tpu.memory_space<vmem_shared>> -> memref<10240x128xf32, #tpu.memory_space<vmem_shared>>
      tpu.wait_indirect_dma semaphore(%run_scoped3A : memref<!tpu.dma_semaphore, #tpu.memory_space<semaphore_mem>>) src(%arg10 : memref<128x128xf32, #tpu.memory_space<vmem>>) dst(%dma_wait3A_68 : memref<10240x128xf32, #tpu.memory_space<vmem_shared>>)
      tpu.yield
    }) : () -> ()
    %dma_wait3A_48 = arith.constant 79 : i32
    %dma_wait3A_49 = arith.constant 0 : i32
    %dma_wait3A_50 = tpu.memref_slice %arg4[%add3A, %dma_wait3A_48, %dma_wait3A_49] : memref<32x80x128xi32, #tpu.memory_space<hbm>> -> memref<1x1x128xi32, #tpu.memory_space<hbm>>
    %dma_wait3A_51 = tpu.memref_squeeze %dma_wait3A_50 : memref<1x1x128xi32, #tpu.memory_space<hbm>> -> memref<128xi32, #tpu.memory_space<hbm>>
    %dma_wait3A_52 = arith.constant 0 : i32
    %dma_wait3A_53 = tpu.memref_slice %arg4[%add3A, %dma_wait3A_48, %dma_wait3A_52] : memref<32x80x128xi32, #tpu.memory_space<hbm>> -> memref<1x1x128xi32, #tpu.memory_space<hbm>>
    %dma_wait3A_54 = tpu.memref_squeeze %dma_wait3A_53 : memref<1x1x128xi32, #tpu.memory_space<hbm>> -> memref<128xi32, #tpu.memory_space<hbm>>
    tpu.wait_dma2 semaphore(%arg14 : memref<!tpu.dma_semaphore, #tpu.memory_space<semaphore_mem>>) src(%dma_wait3A_54 : memref<128xi32, #tpu.memory_space<hbm>>) dst(%arg9 : memref<128xi32, #tpu.memory_space<vmem>>)
    %dma_wait3A_55 = arith.constant 79 : i32
    %dma_wait3A_56 = arith.constant 0 : i32
    %dma_wait3A_57 = tpu.memref_slice %arg7[%dma_wait3A_55, %dma_wait3A_56] : memref<80x128xi32, #tpu.memory_space<vmem>> -> memref<1x128xi32, #tpu.memory_space<vmem>>
    %dma_wait3A_58 = tpu.memref_squeeze %dma_wait3A_57 : memref<1x128xi32, #tpu.memory_space<vmem>> -> memref<128xi32, #tpu.memory_space<vmem>>
    %dma_wait3A_59 = arith.constant 0 : i32
    %dma_wait3A_60 = arith.constant 0 : i32
    %dma_wait3A_61 = tpu.memref_slice %arg2[%dma_wait3A_59, %dma_wait3A_60] : memref<10240x128xf32, #tpu.memory_space<hbm>> -> memref<10240x128xf32, #tpu.memory_space<hbm>>
    tpu.wait_indirect_dma semaphore(%arg16 : memref<!tpu.dma_semaphore, #tpu.memory_space<semaphore_mem>>) src(%dma_wait3A_61 : memref<10240x128xf32, #tpu.memory_space<hbm>>) dst(%arg11 : memref<128x128xf32, #tpu.memory_space<vmem>>)
    "tpu.region"() ({
      %run_scoped3A = tpu.sem_alloc : memref<!tpu.dma_semaphore, #tpu.memory_space<semaphore_mem>>
      %dma_start3A_63 = arith.constant 0 : i32
      %dma_start3A_64 = arith.constant 0 : i32
      %dma_start3A_65 = tpu.memref_slice %arg12[%dma_start3A_63, %dma_start3A_64] : memref<10240x128xf32, #tpu.memory_space<vmem_shared>> -> memref<10240x128xf32, #tpu.memory_space<vmem_shared>>
      tpu.enqueue_indirect_dma source(%arg11 : memref<128x128xf32, #tpu.memory_space<vmem>>) target(%dma_start3A_65 : memref<10240x128xf32, #tpu.memory_space<vmem_shared>>) offsets(%arg9 : memref<128xi32, #tpu.memory_space<vmem>>) semaphore(%run_scoped3A : memref<!tpu.dma_semaphore, #tpu.memory_space<semaphore_mem>>) {add = true}
      %dma_wait3A_66 = arith.constant 0 : i32
      %dma_wait3A_67 = arith.constant 0 : i32
      %dma_wait3A_68 = tpu.memref_slice %arg12[%dma_wait3A_66, %dma_wait3A_67] : memref<10240x128xf32, #tpu.memory_space<vmem_shared>> -> memref<10240x128xf32, #tpu.memory_space<vmem_shared>>
      tpu.wait_indirect_dma semaphore(%run_scoped3A : memref<!tpu.dma_semaphore, #tpu.memory_space<semaphore_mem>>) src(%arg11 : memref<128x128xf32, #tpu.memory_space<vmem>>) dst(%dma_wait3A_68 : memref<10240x128xf32, #tpu.memory_space<vmem_shared>>)
      tpu.yield
    }) : () -> ()
    %barrier3A_62 = arith.constant 0 : index
    tpu.barrier barrier_id(%barrier3A_62)
    "tpu.region"() ({
      %run_scoped3A = tpu.sem_alloc : memref<!tpu.dma_semaphore, #tpu.memory_space<semaphore_mem>>
      %dma_start3A_63 = arith.constant 0 : i32
      %dma_start3A_64 = tpu.memref_slice %arg6[%arg0, %mul3A_2, %dma_start3A_63] : memref<2x10240x128xf32, #tpu.memory_space<hbm>> -> memref<1x640x128xf32, #tpu.memory_space<hbm>>
      %dma_start3A_65 = tpu.memref_squeeze %dma_start3A_64 : memref<1x640x128xf32, #tpu.memory_space<hbm>> -> memref<640x128xf32, #tpu.memory_space<hbm>>
      %dma_start3A_66 = arith.constant 0 : i32
      %dma_start3A_67 = tpu.memref_slice %arg12[%mul3A_2, %dma_start3A_66] : memref<10240x128xf32, #tpu.memory_space<vmem_shared>> -> memref<640x128xf32, #tpu.memory_space<vmem_shared>>
      tpu.enqueue_dma source(%dma_start3A_67 : memref<640x128xf32, #tpu.memory_space<vmem_shared>>) target(%dma_start3A_65 : memref<640x128xf32, #tpu.memory_space<hbm>>) target_semaphore(%run_scoped3A : memref<!tpu.dma_semaphore, #tpu.memory_space<semaphore_mem>>)
      %dma_wait3A_68 = arith.constant 0 : i32
      %dma_wait3A_69 = tpu.memref_slice %arg6[%arg0, %mul3A_2, %dma_wait3A_68] : memref<2x10240x128xf32, #tpu.memory_space<hbm>> -> memref<1x640x128xf32, #tpu.memory_space<hbm>>
      %dma_wait3A_70 = tpu.memref_squeeze %dma_wait3A_69 : memref<1x640x128xf32, #tpu.memory_space<hbm>> -> memref<640x128xf32, #tpu.memory_space<hbm>>
      %dma_wait3A_71 = arith.constant 0 : i32
      %dma_wait3A_72 = tpu.memref_slice %arg12[%mul3A_2, %dma_wait3A_71] : memref<10240x128xf32, #tpu.memory_space<vmem_shared>> -> memref<640x128xf32, #tpu.memory_space<vmem_shared>>
      tpu.wait_dma2 semaphore(%run_scoped3A : memref<!tpu.dma_semaphore, #tpu.memory_space<semaphore_mem>>) src(%dma_wait3A_72 : memref<640x128xf32, #tpu.memory_space<vmem_shared>>) dst(%dma_wait3A_70 : memref<640x128xf32, #tpu.memory_space<hbm>>)
      tpu.yield
    }) : () -> ()
    return
  }
}

module attributes {stable_mosaic.version = 14 : i64} {
  func.func @_mm0_body(%arg0: i32, %arg1: memref<1024x128xf32, #tpu.memory_space<vmem>>, %arg2: memref<128x128xf32, #tpu.memory_space<vmem>>, %arg3: memref<1024x128xf32, #tpu.memory_space<vmem>>) attributes {dimension_semantics = [#tpu.dimension_semantics<arbitrary>], iteration_bounds = array<i64: 10>, scalar_prefetch = 0 : i64, scratch_operands = 0 : i64, tpu.core_type = #tpu.core_type<tc>, window_params = [{transform_indices = @transform_0, window_bounds = array<i64: 1024, 128>}, {pipeline_mode = #tpu.pipeline_mode<synchronous>, transform_indices = @transform_1, window_bounds = array<i64: 128, 128>}, {transform_indices = @transform_2, window_bounds = array<i64: 1024, 128>}]} {
    %get3A = arith.constant 0 : index
    %get3A_0 = arith.constant 0 : index
    %get3A_1 = vector.load %arg1[%get3A, %get3A_0] : memref<1024x128xf32, #tpu.memory_space<vmem>>, vector<1024x128xf32>
    %get3A_2 = arith.constant 0 : index
    %get3A_3 = arith.constant 0 : index
    %get3A_4 = vector.load %arg2[%get3A_2, %get3A_3] : memref<128x128xf32, #tpu.memory_space<vmem>>, vector<128x128xf32>
    %dot_general3A = arith.constant dense<0.000000e+00> : vector<1024x128xf32>
    %dot_general3A_5 = tpu.matmul %get3A_1, %get3A_4, %dot_general3A {dimension_numbers = #tpu.dot_dimension_numbers<[1], [0], [0], [1], [0, 0, 1, 1], [], []>, transpose_lhs_hint = false} : vector<1024x128xf32>, vector<128x128xf32>, vector<1024x128xf32> -> vector<1024x128xf32>
    %swap3A = arith.constant 0 : index
    %swap3A_6 = arith.constant 0 : index
    %swap3A_7 = vector.load %arg3[%swap3A, %swap3A_6] : memref<1024x128xf32, #tpu.memory_space<vmem>>, vector<1024x128xf32>
    tpu.vector_store %arg3[%swap3A, %swap3A_6], %dot_general3A_5 {strides = array<i32>} : memref<1024x128xf32, #tpu.memory_space<vmem>>, vector<1024x128xf32>,
    return
  }
  func.func @transform_0(%arg0: i32) -> (i32, i32) {
    %c0_i32 = arith.constant 0 : i32
    %c0_i32_0 = arith.constant 0 : i32
    return %arg0, %c0_i32 : i32, i32
  }
  func.func @transform_1(%arg0: i32) -> (i32, i32) {
    %c0_i32 = arith.constant 0 : i32
    %c0_i32_0 = arith.constant 0 : i32
    %c0_i32_1 = arith.constant 0 : i32
    return %c0_i32, %c0_i32_0 : i32, i32
  }
  func.func @transform_2(%arg0: i32) -> (i32, i32) {
    %c0_i32 = arith.constant 0 : i32
    %c0_i32_0 = arith.constant 0 : i32
    return %arg0, %c0_i32 : i32, i32
  }
}

module attributes {stable_mosaic.version = 14 : i64} {
  func.func @_scale_body(%arg0: i32, %arg1: memref<2x1024x128xf32, #tpu.memory_space<vmem>>, %arg2: memref<1024x128xf32, #tpu.memory_space<vmem>>, %arg3: memref<1024x128xf32, #tpu.memory_space<vmem>>, %arg4: memref<1024x8xf32, #tpu.memory_space<vmem>>) attributes {dimension_semantics = [#tpu.dimension_semantics<arbitrary>], iteration_bounds = array<i64: 10>, scalar_prefetch = 0 : i64, scratch_operands = 0 : i64, tpu.core_type = #tpu.core_type<tc>, window_params = [{transform_indices = @transform_0, window_bounds = array<i64: 2, 1024, 128>}, {transform_indices = @transform_1, window_bounds = array<i64: 1024, 128>}, {transform_indices = @transform_2, window_bounds = array<i64: 1024, 128>}, {transform_indices = @transform_3, window_bounds = array<i64: 1024, 8>}]} {
    %get3A = arith.constant 0 : index
    %get3A_0 = arith.constant 0 : index
    %get3A_1 = arith.constant 0 : index
    %get3A_2 = vector.load %arg1[%get3A, %get3A_0, %get3A_1] : memref<2x1024x128xf32, #tpu.memory_space<vmem>>, vector<1x1024x1xf32>
    %get3A_3 = vector.shape_cast %get3A_2 : vector<1x1024x1xf32> to vector<1024x1xf32>
    %get3A_4 = arith.constant 1 : index
    %get3A_5 = arith.constant 0 : index
    %get3A_6 = arith.constant 0 : index
    %get3A_7 = vector.load %arg1[%get3A_4, %get3A_5, %get3A_6] : memref<2x1024x128xf32, #tpu.memory_space<vmem>>, vector<1x1024x1xf32>
    %get3A_8 = vector.shape_cast %get3A_7 : vector<1x1024x1xf32> to vector<1024x1xf32>
    %add3A = arith.addf %get3A_3, %get3A_8 : vector<1024x1xf32>
    %add3A_9 = arith.constant 1.000000e+00 : f32
    %add3A_10 = vector.broadcast %add3A_9 : f32 to vector<1024x1xf32>
    %add3A_11 = arith.addf %add3A, %add3A_10 : vector<1024x1xf32>
    %rsqrt3A = math.rsqrt %add3A_11 : vector<1024x1xf32>
    %get3A_12 = arith.constant 0 : index
    %get3A_13 = arith.constant 0 : index
    %get3A_14 = vector.load %arg2[%get3A_12, %get3A_13] : memref<1024x128xf32, #tpu.memory_space<vmem>>, vector<1024x128xf32>
    %mul3A = vector.broadcast %rsqrt3A : vector<1024x1xf32> to vector<1024x128xf32>
    %mul3A_15 = arith.mulf %get3A_14, %mul3A : vector<1024x128xf32>
    %swap3A = arith.constant 0 : index
    %swap3A_16 = arith.constant 0 : index
    %swap3A_17 = vector.load %arg3[%swap3A, %swap3A_16] : memref<1024x128xf32, #tpu.memory_space<vmem>>, vector<1024x128xf32>
    tpu.vector_store %arg3[%swap3A, %swap3A_16], %mul3A_15 {strides = array<i32>} : memref<1024x128xf32, #tpu.memory_space<vmem>>, vector<1024x128xf32>,
    %broadcast_in_dim3A = vector.shape_cast %rsqrt3A : vector<1024x1xf32> to vector<1024x1xf32>
    %broadcast_in_dim3A_18 = vector.broadcast %broadcast_in_dim3A : vector<1024x1xf32> to vector<1024x8xf32>
    %swap3A_19 = arith.constant 0 : index
    %swap3A_20 = arith.constant 0 : index
    %swap3A_21 = vector.load %arg4[%swap3A_19, %swap3A_20] : memref<1024x8xf32, #tpu.memory_space<vmem>>, vector<1024x8xf32>
    tpu.vector_store %arg4[%swap3A_19, %swap3A_20], %broadcast_in_dim3A_18 {strides = array<i32>} : memref<1024x8xf32, #tpu.memory_space<vmem>>, vector<1024x8xf32>,
    return
  }
  func.func @transform_0(%arg0: i32) -> (i32, i32, i32) {
    %c0_i32 = arith.constant 0 : i32
    %c0_i32_0 = arith.constant 0 : i32
    %c0_i32_1 = arith.constant 0 : i32
    return %c0_i32, %arg0, %c0_i32_0 : i32, i32, i32
  }
  func.func @transform_1(%arg0: i32) -> (i32, i32) {
    %c0_i32 = arith.constant 0 : i32
    %c0_i32_0 = arith.constant 0 : i32
    return %arg0, %c0_i32 : i32, i32
  }
  func.func @transform_2(%arg0: i32) -> (i32, i32) {
    %c0_i32 = arith.constant 0 : i32
    %c0_i32_0 = arith.constant 0 : i32
    return %arg0, %c0_i32 : i32, i32
  }
  func.func @transform_3(%arg0: i32) -> (i32, i32) {
    %c0_i32 = arith.constant 0 : i32
    %c0_i32_0 = arith.constant 0 : i32
    return %arg0, %c0_i32 : i32, i32
  }
}

module attributes {stable_mosaic.version = 14 : i64} {
  func.func @_final_body(%arg0: i32, %arg1: memref<2x1000x128xf32, #tpu.memory_space<vmem>>, %arg2: memref<1000x128xf32, #tpu.memory_space<vmem>>, %arg3: memref<1000x8xf32, #tpu.memory_space<vmem>>, %arg4: memref<1x128xf32, #tpu.memory_space<vmem>>, %arg5: memref<1000x128xf32, #tpu.memory_space<vmem>>) attributes {dimension_semantics = [#tpu.dimension_semantics<arbitrary>], iteration_bounds = array<i64: 10>, scalar_prefetch = 0 : i64, scratch_operands = 0 : i64, tpu.core_type = #tpu.core_type<tc>, window_params = [{transform_indices = @transform_0, window_bounds = array<i64: 2, 1000, 128>}, {transform_indices = @transform_1, window_bounds = array<i64: 1000, 128>}, {transform_indices = @transform_2, window_bounds = array<i64: 1000, 8>}, {pipeline_mode = #tpu.pipeline_mode<synchronous>, transform_indices = @transform_3, window_bounds = array<i64: 1, 128>}, {transform_indices = @transform_4, window_bounds = array<i64: 1000, 128>}]} {
    %get3A = arith.constant 0 : index
    %get3A_0 = arith.constant 0 : index
    %get3A_1 = arith.constant 0 : index
    %get3A_2 = vector.load %arg1[%get3A, %get3A_0, %get3A_1] : memref<2x1000x128xf32, #tpu.memory_space<vmem>>, vector<1x1000x128xf32>
    %get3A_3 = vector.shape_cast %get3A_2 : vector<1x1000x128xf32> to vector<1000x128xf32>
    %get3A_4 = arith.constant 1 : index
    %get3A_5 = arith.constant 0 : index
    %get3A_6 = arith.constant 0 : index
    %get3A_7 = vector.load %arg1[%get3A_4, %get3A_5, %get3A_6] : memref<2x1000x128xf32, #tpu.memory_space<vmem>>, vector<1x1000x128xf32>
    %get3A_8 = vector.shape_cast %get3A_7 : vector<1x1000x128xf32> to vector<1000x128xf32>
    %add3A = arith.addf %get3A_3, %get3A_8 : vector<1000x128xf32>
    %get3A_9 = arith.constant 0 : index
    %get3A_10 = arith.constant 0 : index
    %get3A_11 = vector.load %arg2[%get3A_9, %get3A_10] : memref<1000x128xf32, #tpu.memory_space<vmem>>, vector<1000x128xf32>
    %add3A_12 = arith.addf %add3A, %get3A_11 : vector<1000x128xf32>
    %get3A_13 = arith.constant 0 : index
    %get3A_14 = arith.constant 0 : index
    %get3A_15 = vector.load %arg3[%get3A_13, %get3A_14] : memref<1000x8xf32, #tpu.memory_space<vmem>>, vector<1000x1xf32>
    %mul3A = vector.broadcast %get3A_15 : vector<1000x1xf32> to vector<1000x128xf32>
    %mul3A_16 = arith.mulf %add3A_12, %mul3A : vector<1000x128xf32>
    %get3A_17 = arith.constant 0 : index
    %get3A_18 = arith.constant 0 : index
    %get3A_19 = vector.load %arg4[%get3A_17, %get3A_18] : memref<1x128xf32, #tpu.memory_space<vmem>>, vector<1x128xf32>
    %add3A_20 = vector.broadcast %get3A_19 : vector<1x128xf32> to vector<1000x128xf32>
    %add3A_21 = arith.addf %mul3A_16, %add3A_20 : vector<1000x128xf32>
    %swap3A = arith.constant 0 : index
    %swap3A_22 = arith.constant 0 : index
    %swap3A_23 = vector.load %arg5[%swap3A, %swap3A_22] : memref<1000x128xf32, #tpu.memory_space<vmem>>, vector<1000x128xf32>
    tpu.vector_store %arg5[%swap3A, %swap3A_22], %add3A_21 {strides = array<i32>} : memref<1000x128xf32, #tpu.memory_space<vmem>>, vector<1000x128xf32>,
    return
  }
  func.func @transform_0(%arg0: i32) -> (i32, i32, i32) {
    %c0_i32 = arith.constant 0 : i32
    %c0_i32_0 = arith.constant 0 : i32
    %c0_i32_1 = arith.constant 0 : i32
    return %c0_i32, %arg0, %c0_i32_0 : i32, i32, i32
  }
  func.func @transform_1(%arg0: i32) -> (i32, i32) {
    %c0_i32 = arith.constant 0 : i32
    %c0_i32_0 = arith.constant 0 : i32
    return %arg0, %c0_i32 : i32, i32
  }
  func.func @transform_2(%arg0: i32) -> (i32, i32) {
    %c0_i32 = arith.constant 0 : i32
    %c0_i32_0 = arith.constant 0 : i32
    return %arg0, %c0_i32 : i32, i32
  }
  func.func @transform_3(%arg0: i32) -> (i32, i32) {
    %c0_i32 = arith.constant 0 : i32
    %c0_i32_0 = arith.constant 0 : i32
    %c0_i32_1 = arith.constant 0 : i32
    return %c0_i32, %c0_i32_0 : i32, i32
  }
  func.func @transform_4(%arg0: i32) -> (i32, i32) {
    %c0_i32 = arith.constant 0 : i32
    %c0_i32_0 = arith.constant 0 : i32
    return %arg0, %c0_i32 : i32, i32
  }
}

module attributes {stable_mosaic.version = 14 : i64} {
  func.func @_mid_body(%arg0: i32, %arg1: memref<2x1024x128xf32, #tpu.memory_space<vmem>>, %arg2: memref<1024x128xf32, #tpu.memory_space<vmem>>, %arg3: memref<1024x8xf32, #tpu.memory_space<vmem>>, %arg4: memref<1x128xf32, #tpu.memory_space<vmem>>, %arg5: memref<128x128xf32, #tpu.memory_space<vmem>>, %arg6: memref<1024x128xf32, #tpu.memory_space<vmem>>) attributes {dimension_semantics = [#tpu.dimension_semantics<arbitrary>], iteration_bounds = array<i64: 10>, scalar_prefetch = 0 : i64, scratch_operands = 0 : i64, tpu.core_type = #tpu.core_type<tc>, window_params = [{transform_indices = @transform_0, window_bounds = array<i64: 2, 1024, 128>}, {transform_indices = @transform_1, window_bounds = array<i64: 1024, 128>}, {transform_indices = @transform_2, window_bounds = array<i64: 1024, 8>}, {pipeline_mode = #tpu.pipeline_mode<synchronous>, transform_indices = @transform_3, window_bounds = array<i64: 1, 128>}, {pipeline_mode = #tpu.pipeline_mode<synchronous>, transform_indices = @transform_4, window_bounds = array<i64: 128, 128>}, {transform_indices = @transform_5, window_bounds = array<i64: 1024, 128>}]} {
    %get3A = arith.constant 0 : index
    %get3A_0 = arith.constant 0 : index
    %get3A_1 = vector.load %arg3[%get3A, %get3A_0] : memref<1024x8xf32, #tpu.memory_space<vmem>>, vector<1024x1xf32>
    %get3A_2 = arith.constant 0 : index
    %get3A_3 = arith.constant 0 : index
    %get3A_4 = arith.constant 0 : index
    %get3A_5 = vector.load %arg1[%get3A_2, %get3A_3, %get3A_4] : memref<2x1024x128xf32, #tpu.memory_space<vmem>>, vector<1x1024x128xf32>
    %get3A_6 = vector.shape_cast %get3A_5 : vector<1x1024x128xf32> to vector<1024x128xf32>
    %get3A_7 = arith.constant 1 : index
    %get3A_8 = arith.constant 0 : index
    %get3A_9 = arith.constant 0 : index
    %get3A_10 = vector.load %arg1[%get3A_7, %get3A_8, %get3A_9] : memref<2x1024x128xf32, #tpu.memory_space<vmem>>, vector<1x1024x128xf32>
    %get3A_11 = vector.shape_cast %get3A_10 : vector<1x1024x128xf32> to vector<1024x128xf32>
    %add3A = arith.addf %get3A_6, %get3A_11 : vector<1024x128xf32>
    %get3A_12 = arith.constant 0 : index
    %get3A_13 = arith.constant 0 : index
    %get3A_14 = vector.load %arg2[%get3A_12, %get3A_13] : memref<1024x128xf32, #tpu.memory_space<vmem>>, vector<1024x128xf32>
    %add3A_15 = arith.addf %add3A, %get3A_14 : vector<1024x128xf32>
    %mul3A = vector.broadcast %get3A_1 : vector<1024x1xf32> to vector<1024x128xf32>
    %mul3A_16 = arith.mulf %add3A_15, %mul3A : vector<1024x128xf32>
    %get3A_17 = arith.constant 0 : index
    %get3A_18 = arith.constant 0 : index
    %get3A_19 = vector.load %arg4[%get3A_17, %get3A_18] : memref<1x128xf32, #tpu.memory_space<vmem>>, vector<1x128xf32>
    %add3A_20 = vector.broadcast %get3A_19 : vector<1x128xf32> to vector<1024x128xf32>
    %add3A_21 = arith.addf %mul3A_16, %add3A_20 : vector<1024x128xf32>
    %max3A = arith.constant 0.000000e+00 : f32
    %max3A_22 = vector.broadcast %max3A : f32 to vector<1024x128xf32>
    %max3A_23 = arith.maximumf %add3A_21, %max3A_22 : vector<1024x128xf32>
    %get3A_24 = arith.constant 0 : index
    %get3A_25 = arith.constant 0 : index
    %get3A_26 = vector.load %arg5[%get3A_24, %get3A_25] : memref<128x128xf32, #tpu.memory_space<vmem>>, vector<128x128xf32>
    %dot_general3A = arith.constant dense<0.000000e+00> : vector<1024x128xf32>
    %dot_general3A_27 = tpu.matmul %max3A_23, %get3A_26, %dot_general3A {dimension_numbers = #tpu.dot_dimension_numbers<[1], [0], [0], [1], [0, 0, 1, 1], [], []>, transpose_lhs_hint = false} : vector<1024x128xf32>, vector<128x128xf32>, vector<1024x128xf32> -> vector<1024x128xf32>
    %mul3A_28 = vector.broadcast %get3A_1 : vector<1024x1xf32> to vector<1024x128xf32>
    %mul3A_29 = arith.mulf %dot_general3A_27, %mul3A_28 : vector<1024x128xf32>
    %swap3A = arith.constant 0 : index
    %swap3A_30 = arith.constant 0 : index
    %swap3A_31 = vector.load %arg6[%swap3A, %swap3A_30] : memref<1024x128xf32, #tpu.memory_space<vmem>>, vector<1024x128xf32>
    tpu.vector_store %arg6[%swap3A, %swap3A_30], %mul3A_29 {strides = array<i32>} : memref<1024x128xf32, #tpu.memory_space<vmem>>, vector<1024x128xf32>,
    return
  }
  func.func @transform_0(%arg0: i32) -> (i32, i32, i32) {
    %c0_i32 = arith.constant 0 : i32
    %c0_i32_0 = arith.constant 0 : i32
    %c0_i32_1 = arith.constant 0 : i32
    return %c0_i32, %arg0, %c0_i32_0 : i32, i32, i32
  }
  func.func @transform_1(%arg0: i32) -> (i32, i32) {
    %c0_i32 = arith.constant 0 : i32
    %c0_i32_0 = arith.constant 0 : i32
    return %arg0, %c0_i32 : i32, i32
  }
  func.func @transform_2(%arg0: i32) -> (i32, i32) {
    %c0_i32 = arith.constant 0 : i32
    %c0_i32_0 = arith.constant 0 : i32
    return %arg0, %c0_i32 : i32, i32
  }
  func.func @transform_3(%arg0: i32) -> (i32, i32) {
    %c0_i32 = arith.constant 0 : i32
    %c0_i32_0 = arith.constant 0 : i32
    %c0_i32_1 = arith.constant 0 : i32
    return %c0_i32, %c0_i32_0 : i32, i32
  }
  func.func @transform_4(%arg0: i32) -> (i32, i32) {
    %c0_i32 = arith.constant 0 : i32
    %c0_i32_0 = arith.constant 0 : i32
    %c0_i32_1 = arith.constant 0 : i32
    return %c0_i32, %c0_i32_0 : i32, i32
  }
  func.func @transform_5(%arg0: i32) -> (i32, i32) {
    %c0_i32 = arith.constant 0 : i32
    %c0_i32_0 = arith.constant 0 : i32
    return %arg0, %c0_i32 : i32, i32
  }
}

</mosaic_0001>

<sc_bundles>
// kernel: kernel.12.cloned.1.call-start
scs
__scs_entry_jumppad:
0x0: {  	(pc) =	sbr.rel $0x88, $3  }
0x1: {  	(tag) =	ssettag $0x0;
	lr =	simm.s32 $0x1  }
0x2: {  	[smem:$0x3F9B] =	sst lr;
	_ =	strace $0xD0000000  }
0x3: {  	_ = 	snop  }
0x4: {  	_ = 	snop  }
0x5: {  	_ = 	snop  }
0x6: {  	_ = 	snop  }
0x7: {  	_ = 	snop  }
__scs_overlays_trampoline_lowered:
0x8: {  	[smem:$0x3FAA] =	sst s0  }
0x9: {  	[smem:$0x3FAB] =	sst s1  }
0xa: {  	[smem:$0x3FAC] =	sst s2  }
0xb: {  	[smem:$0x3FAD] =	sst s3  }
0xc: {  	[smem:$0x3FAE] =	sst s4  }
0xd: {  	[smem:$0x3FAF] =	sst s5  }
0xe: {  	[smem:$0x3FB0] =	sst s6  }
0xf: {  	[smem:$0x3FB1] =	sst s7  }
0x10: {  	[smem:$0x3FB2] =	sst s8  }
0x11: {  	[smem:$0x3FB3] =	sst s9;
	s0 =	simm.s32 @!p0 $0x0  }
0x12: {  	s1 =	sld [smem:$0x3F99];
	s0 =	simm.s32 @p0 $0x1  }
0x13: {  	[smem:$0x3FB4] =	sst s0;
	s0 =	simm.s32 @!p1 $0x0  }
0x14: {  	s2 =	sld [smem:$0x3F98];
	s0 =	simm.s32 @p1 $0x1  }
0x15: {  	[smem:$0x3FB5] =	sst s0;
	s0 =	simm.s32 @!p2 $0x0  }
0x16: {  	s3 =	sld [smem:$0x3FDB];
	s0 =	simm.s32 @p2 $0x1  }
0x17: {  	s4 =	simm.s32 $0x1BF5;
	[smem:$0x3FB7] =	sst s0  }
0x18: {  	s0 =	sld [smem:$0x3F9A];
	_ =	swait.ge [sflag:s4], $0x0  }
0x19: {  	s7 =	sld [smem:$0x3F9B]  }
0x1a: {  	s8 =	sadd.s32 $0xFFFFE003, lr  }
0x1b: {  	s9 =	sadd.s32 $0xFFFFFEF7, lr;
	s5 =	simm.s32 $0xFFFFFFFF;
	p2 =	slt.u32 s8, $0xFFFFF086  }
0x1c: {  	p1 =	slt.u32 s9, $0xF7A;
	s5 =	simm.s32 @!p2 $0x0  }
0x1d: {  	s5 =	simm.s32 @p1 $0x1;
	p0 =	seq.s32 s7, s2  }
0x1e: {  	s7 =	smul.u32 @!p0 $0xF7A, s2;
	p2 =	seq.s32 @!p0 s5, $0x0  }
0x1f: {  	s9 =	smul.u32 $0xF7A, s1;
	s8 =	simm.s32 @!p0 $0x1BF5;
	p2 =	por !p2, p0  }
0x20: {  	[sflag:s8] =	ssyncset.s32 @!p0 $0xFFFFF086;
	s6 =	sadd.s32 @!p0 s3, s7;
	s7 =	simm.s32 @!p0 $0x108  }
0x21: {  	s3 =	sadd.s32 s3, s9;
	s6 =	sadd.s32 @!p0 $0x88, s6;
	s7 =	simm.s32 @p2 $0x1082  }
0x22: {  	[simem:s7], [sflag:s8] =	dma.local @!p0 [hbm:s6], $0xF7A  }
0x23: {  	s9 =	sor.u32 $0xD0000000, s2;
	s6 =	simm.s32 $0x108;
	_ =	swait.ge @!p0 [sflag:s8], $0x0  }
0x24: {  	s3 =	sadd.s32 $0x88, s3;
	s6 =	simm.s32 @!p1 $0x1082;
	[sflag:s4] =	ssyncset.s32 $0xFFFFF086  }
0x25: {  	[simem:s6], [sflag:s4] =	dma.local [hbm:s3], $0xF7A  }
0x26: {  	[smem:$0x3F9B] =	sst s1;
	(tag) =	ssettag s2;
	_ =	strace s9  }
0x27: {  	s1 =	sld [smem:$0x3FAB]  }
0x28: {  	s2 =	sld [smem:$0x3FAC]  }
0x29: {  	s4 =	sld [smem:$0x3FAE]  }
0x2a: {  	p0 =	seq.s32 s5, $0x0;
	s5 =	sld [smem:$0x3FAF]  }
0x2b: {  	s6 =	sld [smem:$0x3FB0]  }
0x2c: {  	s7 =	sld [smem:$0x3FB1]  }
0x2d: {  	s3 =	simm.s32 $0x108;
	s8 =	sld [smem:$0x3FB2]  }
0x2e: {  	s3 =	simm.s32 @!p0 $0x1082;
	s9 =	sld [smem:$0x3FB3]  }
0x2f: {  	lr =	sadd.s32 s0, s3;
	s0 =	sld [smem:$0x3FAA]  }
0x30: {  	s3 =	sld [smem:$0x3FAD]  }
0x31: {  	[smem:$0x3FB6] =	sst s10  }
0x32: {  	s10 =	sld [smem:$0x3FB4];
	_ =	sdelay $0x3  }
0x33: {  	p0 =	seq.s32 s10, $0x1;
	s10 =	sld [smem:$0x3FB6];
	_ =	sdelay $0x3  }
0x34: {  	[smem:$0x3FB6] =	sst s10  }
0x35: {  	s10 =	sld [smem:$0x3FB5];
	_ =	sdelay $0x3  }
0x36: {  	p1 =	seq.s32 s10, $0x1;
	s10 =	sld [smem:$0x3FB6];
	_ =	sdelay $0x3  }
0x37: {  	[smem:$0x3FB6] =	sst s10  }
0x38: {  	s10 =	sld [smem:$0x3FB7]  }
0x39: {  	_ = 	snop;
	(pc) =	sbr.ind lr, $3  }
0x3a: {  	_ = 	snop  }
0x3b: {  	_ = 	snop  }
0x3c: {  	p2 =	seq.s32 s10, $0x1;
	s10 =	sld [smem:$0x3FB6]  }
0x3d: {  	_ =	shalt  }
0x3e: {  	_ =	shalt  }
0x3f: {  	_ =	shalt  }
0x40: {  	_ =	shalt  }
0x41: {  	_ =	shalt  }
0x42: {  	_ =	shalt  }
0x43: {  	_ =	shalt  }
0x44: {  	_ =	shalt  }
0x45: {  	_ =	shalt  }
0x46: {  	_ =	shalt  }
0x47: {  	_ =	shalt  }
0x48: {  	_ =	shalt  }
0x49: {  	_ =	shalt  }
0x4a: {  	_ =	shalt  }
0x4b: {  	_ =	shalt  }
0x4c: {  	_ =	shalt  }
0x4d: {  	_ =	shalt  }
0x4e: {  	_ =	shalt  }
0x4f: {  	_ =	shalt  }
0x50: {  	_ =	shalt  }
0x51: {  	_ =	shalt  }
0x52: {  	_ =	shalt  }
0x53: {  	_ =	shalt  }
0x54: {  	_ =	shalt  }
0x55: {  	_ =	shalt  }
0x56: {  	_ =	shalt  }
0x57: {  	_ =	shalt  }
0x58: {  	_ =	shalt  }
0x59: {  	_ =	shalt  }
0x5a: {  	_ =	shalt  }
0x5b: {  	_ =	shalt  }
0x5c: {  	_ =	shalt  }
0x5d: {  	_ =	shalt  }
0x5e: {  	_ =	shalt  }
0x5f: {  	_ =	shalt  }
0x60: {  	_ =	shalt  }
0x61: {  	_ =	shalt  }
0x62: {  	_ =	shalt  }
0x63: {  	_ =	shalt  }
0x64: {  	_ =	shalt  }
0x65: {  	_ =	shalt  }
0x66: {  	_ =	shalt  }
0x67: {  	_ =	shalt  }
0x68: {  	_ =	shalt  }
0x69: {  	_ =	shalt  }
0x6a: {  	_ =	shalt  }
0x6b: {  	_ =	shalt  }
0x6c: {  	_ =	shalt  }
0x6d: {  	_ =	shalt  }
0x6e: {  	_ =	shalt  }
0x6f: {  	_ =	shalt  }
0x70: {  	_ =	shalt  }
0x71: {  	_ =	shalt  }
0x72: {  	_ =	shalt  }
0x73: {  	_ =	shalt  }
0x74: {  	_ =	shalt  }
0x75: {  	_ =	shalt  }
0x76: {  	_ =	shalt  }
0x77: {  	_ =	shalt  }
0x78: {  	_ =	shalt  }
0x79: {  	_ =	shalt  }
0x7a: {  	_ =	shalt  }
0x7b: {  	_ =	shalt  }
0x7c: {  	_ =	shalt  }
0x7d: {  	_ =	shalt  }
0x7e: {  	_ =	shalt  }
0x7f: {  	_ =	shalt  }
0x80: {  	_ =	shalt  }
0x81: {  	_ =	shalt  }
0x82: {  	_ =	shalt  }
0x83: {  	_ =	shalt  }
0x84: {  	_ =	shalt  }
0x85: {  	_ =	shalt  }
0x86: {  	_ =	shalt  }
0x87: {  	_ =	shalt  }
.Lfunc_end0:
.L_simem_size_0:
called_computation.1_lowered:
.L_overlay_start_0:
0x88: {  	s2 =	sld [smem:$0x3FD9]  }
0x89: {  	s3 =	sld [smem:$0x3FFE];
	_ =	sdelay $0x1  }
0x8a: {  	s1 =	srdreg.scid  }
0x8b: {  	s0 =	sand.u32 $0x1, s1  }
0x8c: {  	s17 =	sshll.u32 s0, $0xA;
	s2 =	sadd.s32 s3, s2  }
0x8d: {  	s2 =	sadd.s32 s2, s17  }
0x8e: {  	[smem:$0x3FC2] =	sst s2  }
0x8f: {  	_ = 	snop  }
0x90: {  	s2 =	sld [smem:$0x3FD0];
	(tm) =	ssettm $0x1  }
0x91: {  	s18 =	sld [smem:$0x3FFB];
	_ =	sdelay $0x3  }
0x92: {  	_ =	strace s18  }
0x93: {  	s3 =	sld [smem:$0x3FFC];
	_ =	sdelay $0x3  }
0x94: {  	_ =	strace s3  }
0x95: {  	s3 =	sld [smem:$0x3FFD];
	_ =	sdelay $0x3  }
0x96: {  	_ =	strace s3  }
0x97: {  	_ =	strace $0x8FFFFFFF  }
0x98: {  	s19 =	sld [smem:$0x3FDB];
	_ =	sdelay $0x1  }
0x99: {  	s4 =	simm.s32 $_scs_section_size  }
0x9a: {  	s5 =	simm.s32 $_size__tile_overlayer_lowered;
	s6 =	simm.s32 $_tile_overlayer_lowered  }
0x9b: {  	s22 =	simm.s32 $0x1BFF;
	s21 =	sshll.u32 s6, $0x1;
	s3 =	sadd.s32 s4, s19  }
0x9c: {  	s7 =	simm.s32 $0x0;
	s20 =	sshll.u32 s5, $0x1;
	s5 =	sadd.s32 s21, s3  }
0x9d: {  	[timem:s7], [sflag:s22] =	dma.local [hbm:s5], s20  }
0x9e: {  	_ =	swait.ge [sflag:s22], s20  }
0x9f: {  	s4 =	ssub.s32 $0x0, s20;
	[sflag:s22] =	ssyncset.done $0x0  }
0xa0: {  	[sflag:s22] =	ssyncadd.s32 s4;
	_ =	sdelay $0x1  }
0xa1: {  	s23 =	simm.s32 $0x1B8B  }
0xa2: {  	_ =	swait.ge [sflag:s23], $0x1  }
0xa3: {  	[sflag:s23] =	ssyncset.done $0x0  }
0xa4: {  	s25 =	simm.s32 $0x1B8E;
	s24 =	sld [smem:$0x3FFE];
	[sflag:s23] =	ssyncadd.s32 $0xFFFFFFFF  }
0xa5: {  	s26 =	simm.s32 $execute0_lowered;
	[smem:$0x3FD2] =	sst s25  }
0xa6: {  	s5 =	sshll.u32 s26, $0x1;
	_ =	strace $0x80000049;
	[dreg:$0x1] =	wrdreg $0xFFFFFFFF  }
0xa7: {  	s28 =	simm.s32 $_size_execute0_lowered;
	s3 =	sadd.s32 s3, s5;
	[dreg:$0x0] =	wrdreg $0x0  }
0xa8: {  	s5 =	sshll.u32 s28, $0x1;
	[dreg:$0x2] =	wrdreg s3  }
0xa9: {  	[dreg:$0x3] =	wrdreg s5  }
0xaa: {  	[dreg:$0x4] =	wrdreg $0xC0  }
0xab: {  	_ =	task [dreg:s7], $0x5FFFF  }
0xac: {  	[dreg:$0x1] =	wrdreg $0xFFFFFFFF  }
0xad: {  	[dreg:$0x0] =	wrdreg $0x60  }
0xae: {  	[dreg:$0x2] =	wrdreg s24  }
0xaf: {  	[dreg:$0x3] =	wrdreg s2  }
0xb0: {  	[dreg:$0x4] =	wrdreg $0xA9000  }
0xb1: {  	[dreg:$0x5] =	wrdreg $0x9  }
0xb2: {  	_ =	task.clear_ibuf [dreg:s7], $0x6FFFF;
	_ =	strace $0x90000049  }
0xb3: {  	s29 =	simm.s32 $0x9;
	_ =	strace $0x8000004B  }
0xb4: {  	_ =	swait.ge [sflag:s29], $0x1  }
0xb5: {  	[sflag:s29] =	ssyncadd.s32 $0xFFFFFFFF  }
0xb6: {  	_ =	strace $0x9000004B  }
0xb7: {  	_ =	sfence  }
0xb8: {  	s30 =	sld [smem:$0x0];
	_ =	sdelay $0x2  }
0xb9: {  	s31 =	sshll.u32 s1, $0xD;
	s1 =	sshrl.u32 s1, $0x2  }
0xba: {  	s3 =	sand.u32 $0x4000, s31;
	s1 =	sadd.s32 s1, s30  }
0xbb: {  	s0 =	sor.u32 s3, s0;
	s1 =	sshll.u32 s1, $0x11  }
0xbc: {  	s0 =	sor.u32 s1, s0  }
0xbd: {  	s0 =	sadd.s32 $0x8F2B, s0  }
0xbe: {  	[sflag:s0] =	ssyncadd.remote.s32 $0x1  }
0xbf: {  	_ =	sfence.sel $0xFFFF  }
0xc0: {  	[dreg:$0x0] =	wrdreg $0xFFFFFFFF;
	(pc) =	sbr.abs _section_cstart, $3  }
0xc1: {  	[dreg:$0x1] =	wrdreg $0xFFFFFFFF  }
0xc2: {  	_ =	task.clear_ibuf [dreg:s7], $0x2FFFF;
	_ =	strace $0x9FFFFFFF  }
0xc3: {  	(tm) =	ssettm $0x7FFFFFFF  }
tec
execute0_lowered:
.L_overlay_start_1:
0x0: {  	(tag) =	ssettag $0x1  }
0x1: {  	s1 =	srdreg.scid;
	s8 =	rddreg [dreg:$0x0]  }
0x2: {  	s0 =	stileid.u32;
	s2 =	rddreg [dreg:$0x1]  }
0x3: {  	s3 =	rddreg [dreg:$0x2];
	s5 =	simm.s32 $0x0;
	s16 =	simm.s32 $0x2800  }
0x4: {  	s17 =	simm.s32 $0x80;
	s18 =	simm.s32 $0x2900;
	s19 =	simm.s32 $0x2880  }
0x5: {  	s20 =	simm.s32 $0x6900;
	s21 =	simm.s32 $0x1;
	s22 =	simm.s32 $0x3  }
0x6: {  	s23 =	simm.s32 $0x2;
	s24 =	simm.s32 $0x4;
	s25 =	simm.s32 $0x0  }
0x7: {  	s9 =	sand.u32 $0x1, s1;
	s26 =	sshll.u32 s0, $0x1;
	s10 =	smul.u32 $0x14000, s0  }
0x8: {  	[smem:$0x7FF] =	sst s5;
	s6 =	sadd.s32 $0xF800, s8;
	s13 =	smul.u32 $0x50000, s0  }
0x9: {  	s31 =	sshll.u32 s0, $0x6;
	s1 =	sor.u32 s9, s26;
	s7 =	smul.u32 $0x140000, s9  }
0xa: {  	_ =	strace $0x8000004A;
	s9 =	ssub.s32 $0x2, s9;
	s4 =	smul.u32 $0x2800, s1  }
0xb: {  	s28 =	sshrl.u32 s9, $0x1;
	s29 =	sshrl.u32 s13, $0x2;
	s10 =	sadd.s32 s10, s7  }
0xc: {  	s7 =	sadd.s32 $0xD000, s8;
	s30 =	ssub.s32 s9, s28;
	s15 =	sadd.s32 s29, s3  }
0xd: {  	s11 =	sshrl.u32 s4, $0x3;
	s10 =	sshrl.u32 s10, $0x3;
	s13 =	smax.u32 s30, $0x1  }
0xe: {  	s12 =	sadd.s32 s11, s8;
	s14 =	sadd.s32 s10, s8;
	s10 =	sadd.s32 s2, s11  }
0xf: {  	s8 =	sor.u32 $0x1C05, s31;
	s9 =	sadd.s32 $0x2800, s12;
	s11 =	sadd.s32 $0x10, s10  }
0x10: {  	s12 =	sadd.s32 $0x37800, s14;
	s14 =	sshrl.u32 s15, $0x3;
	s15 =	simm.s32 $0x5  }
.LBB2_1:
0x11: {  	[spmem:s14], [sflag:s8] =	dma.local [hbm:s7], $0x2800  }
0x12: {  	_ =	swait.ge [sflag:s15], $0x2800  }
0x13: {  	[sflag:s15] =	ssyncset.done $0x0  }
0x14: {  	[sflag:s15] =	ssyncadd.s32 $0xFFFFD800  }
0x15: {  	[tilespmem:s5], [sflag:$0x5] =	stream.linear.gather [hbm4b:s9+s5], $0x2800, $0x38;
	[tilespmem:$0x1E900] =	vst v63  }
0x16: {  	_ =	swait.ge [sflag:s15], $0x2800  }
0x17: {  	[sflag:s15] =	ssyncset.done $0x0  }
0x18: {  	[sflag:s15] =	ssyncadd.s32 $0xFFFFD800  }
0x19: {  	[bflag:$0x0] =	sbarrier.arrive $0xFFFF  }
0x1a: {  	[tilespmem:s16], [sflag:$0x1] =	stream.linear.gather [hbm4b:s10+s5], $0x80, $0x38;
	[tilespmem:$0x1E900] =	vst v63  }
0x1b: {  	_ = 	snop  }
0x1c: {  	[tilespmem:s18], [sflag:$0x3] =	stream.indirect.gather [hbm4b:s6+s17], $0x80, s5, s17, $0xb8;
	[tilespmem:$0x1E900] =	vst v63  }
0x1d: {  	_ = 	snop  }
0x1e: {  	[tilespmem:s19], [sflag:$0x2] =	stream.linear.gather [hbm4b:s11+s5], $0x80, $0x38;
	[tilespmem:$0x1E900] =	vst v63  }
0x1f: {  	_ = 	snop  }
0x20: {  	[tilespmem:s20], [sflag:$0x4] =	stream.indirect.gather [hbm4b:s6+s17], $0x80, s17, s17, $0xb8;
	[tilespmem:$0x1E900] =	vst v63  }
0x21: {  	_ =	swait.ge [sflag:s21], $0x80  }
0x22: {  	[sflag:s21] =	ssyncset.done $0x0  }
0x23: {  	[sflag:s21] =	ssyncadd.s32 $0xFFFFFF80  }
0x24: {  	s26 =	simm.s32 $0x100;
	_ =	swait.ge [sflag:s22], $0x4000  }
0x25: {  	s28 =	sand.u32 $0x7C00, s26;
	[sflag:s22] =	ssyncset.done $0x0  }
0x26: {  	s26 =	sand.u32 $0x300, s26;
	s28 =	sadd.s32 s4, s28;
	[sflag:s22] =	ssyncadd.s32 $0xFFFFC000  }
0x27: {  	[spmem:s3] =	stream.indirect.scatter.add.f32 [tilespmem:s18], [sflag:$0x5], $0x80, s16, s17, $0xb8;
	[tilespmem:$0x1E900] =	vst v63  }
0x28: {  	s26 =	sor.u32 s26, s28;
	_ =	swait.ge [sflag:s15], $0x4000  }
0x29: {  	s26 =	sshrl.u32 s26, $0x3;
	[sflag:s15] =	ssyncset.done $0x0  }
0x2a: {  	s26 =	sadd.s32 s2, s26;
	[sflag:s15] =	ssyncadd.s32 $0xFFFFC000  }
0x2b: {  	[tilespmem:s16], [sflag:$0x1] =	stream.linear.gather [hbm4b:s26+s5], $0x80, $0x38;
	[tilespmem:$0x1E900] =	vst v63  }
0x2c: {  	s30 =	simm.s32 $0x100  }
0x2d: {  	[tilespmem:s18], [sflag:$0x3] =	stream.indirect.gather [hbm4b:s6+s17], $0x80, s30, s17, $0xb8;
	[tilespmem:$0x1E900] =	vst v63  }
0x2e: {  	_ =	swait.ge [sflag:s23], $0x80  }
0x2f: {  	[sflag:s23] =	ssyncset.done $0x0  }
0x30: {  	[sflag:s23] =	ssyncadd.s32 $0xFFFFFF80  }
0x31: {  	s31 =	simm.s32 $0x180;
	_ =	swait.ge [sflag:s24], $0x4000  }
0x32: {  	s28 =	sand.u32 $0x7C00, s31;
	[sflag:s24] =	ssyncset.done $0x0  }
0x33: {  	s28 =	sadd.s32 s4, s28;
	s26 =	sand.u32 $0x380, s31;
	[sflag:s24] =	ssyncadd.s32 $0xFFFFC000  }
0x34: {  	[spmem:s3] =	stream.indirect.scatter.add.f32 [tilespmem:s20], [sflag:$0x5], $0x80, s19, s17, $0xb8;
	[tilespmem:$0x1E900] =	vst v63  }
0x35: {  	s26 =	sor.u32 s26, s28;
	_ =	swait.ge [sflag:s15], $0x4000  }
0x36: {  	s26 =	sshrl.u32 s26, $0x3;
	[sflag:s15] =	ssyncset.done $0x0  }
0x37: {  	s26 =	sadd.s32 s2, s26;
	[sflag:s15] =	ssyncadd.s32 $0xFFFFC000  }
0x38: {  	[tilespmem:s19], [sflag:$0x2] =	stream.linear.gather [hbm4b:s26+s5], $0x80, $0x38;
	[tilespmem:$0x1E900] =	vst v63  }
0x39: {  	s29 =	simm.s32 $0x200;
	s28 =	simm.s32 $0x180;
	s26 =	simm.s32 $0x280  }
.LBB2_2:
0x3a: {  	s30 =	sadd.s32 $0x80, s29  }
0x3b: {  	p0 =	sne.s32 s26, $0x2780;
	s31 =	smov.u32 s26;
	s26 =	sadd.s32 $0x100, s26  }
0x3c: {  	[tilespmem:s20], [sflag:$0x4] =	stream.indirect.gather [hbm4b:s6+s17], $0x80, s28, s17, $0xb8;
	[tilespmem:$0x1E900] =	vst v63  }
0x3d: {  	s28 =	smov.u32 s30;
	_ =	swait.ge [sflag:s21], $0x80  }
0x3e: {  	[sflag:s21] =	ssyncset.done $0x0  }
0x3f: {  	[sflag:s21] =	ssyncadd.s32 $0xFFFFFF80  }
0x40: {  	_ =	swait.ge [sflag:s22], $0x4000  }
0x41: {  	s30 =	sadd.s32 $0xFFFFFF80, s31;
	[sflag:s22] =	ssyncset.done $0x0  }
0x42: {  	s1 =	sand.u32 $0x7C00, s30;
	s30 =	sand.u32 $0x300, s30;
	[sflag:s22] =	ssyncadd.s32 $0xFFFFC000  }
0x43: {  	[spmem:s3] =	stream.indirect.scatter.add.f32 [tilespmem:s18], [sflag:$0x5], $0x80, s16, s17, $0xb8;
	[tilespmem:$0x1E900] =	vst v63  }
0x44: {  	s1 =	sadd.s32 s4, s1;
	_ =	swait.ge [sflag:s15], $0x4000  }
0x45: {  	s1 =	sor.u32 s30, s1;
	[sflag:s15] =	ssyncset.done $0x0  }
0x46: {  	s1 =	sshrl.u32 s1, $0x3;
	[sflag:s15] =	ssyncadd.s32 $0xFFFFC000  }
0x47: {  	s1 =	sadd.s32 s2, s1  }
0x48: {  	[tilespmem:s16], [sflag:$0x1] =	stream.linear.gather [hbm4b:s1+s5], $0x80, $0x38;
	[tilespmem:$0x1E900] =	vst v63  }
0x49: {  	_ = 	snop  }
0x4a: {  	[tilespmem:s18], [sflag:$0x3] =	stream.indirect.gather [hbm4b:s6+s17], $0x80, s29, s17, $0xb8;
	[tilespmem:$0x1E900] =	vst v63  }
0x4b: {  	_ =	swait.ge [sflag:s23], $0x80  }
0x4c: {  	[sflag:s23] =	ssyncset.done $0x0  }
0x4d: {  	[sflag:s23] =	ssyncadd.s32 $0xFFFFFF80  }
0x4e: {  	_ =	swait.ge [sflag:s24], $0x4000  }
0x4f: {  	s1 =	sand.u32 $0x7C00, s31;
	[sflag:s24] =	ssyncset.done $0x0  }
0x50: {  	s30 =	sand.u32 $0x380, s31;
	s1 =	sadd.s32 s4, s1;
	[sflag:s24] =	ssyncadd.s32 $0xFFFFC000  }
0x51: {  	[spmem:s3] =	stream.indirect.scatter.add.f32 [tilespmem:s20], [sflag:$0x5], $0x80, s19, s17, $0xb8;
	[tilespmem:$0x1E900] =	vst v63  }
.Ltmp0:
0x52: {  	_ = 	snop;
	(pc) =	sbr.rel @p0 .LBB2_2-.Ltmp0, $4  }
0x53: {  	s1 =	sor.u32 s30, s1;
	_ =	swait.ge [sflag:s15], $0x4000  }
0x54: {  	s1 =	sshrl.u32 s1, $0x3;
	[sflag:s15] =	ssyncset.done $0x0  }
0x55: {  	s29 =	sadd.s32 $0x100, s29;
	s1 =	sadd.s32 s2, s1;
	[sflag:s15] =	ssyncadd.s32 $0xFFFFC000  }
0x56: {  	[tilespmem:s19], [sflag:$0x2] =	stream.linear.gather [hbm4b:s1+s5], $0x80, $0x38;
	[tilespmem:$0x1E900] =	vst v63  }
0x57: {  	[tilespmem:s20], [sflag:$0x4] =	stream.indirect.gather [hbm4b:s6+s17], $0x80, s28, s17, $0xb8;
	[tilespmem:$0x1E900] =	vst v63  }
0x58: {  	_ =	swait.ge [sflag:s21], $0x80  }
0x59: {  	[sflag:s21] =	ssyncset.done $0x0  }
0x5a: {  	[sflag:s21] =	ssyncadd.s32 $0xFFFFFF80  }
0x5b: {  	_ =	swait.ge [sflag:s22], $0x4000  }
0x5c: {  	[sflag:s22] =	ssyncset.done $0x0  }
0x5d: {  	[sflag:s22] =	ssyncadd.s32 $0xFFFFC000  }
0x5e: {  	[spmem:s3] =	stream.indirect.scatter.add.f32 [tilespmem:s18], [sflag:$0x5], $0x80, s16, s17, $0xb8;
	[tilespmem:$0x1E900] =	vst v63  }
0x5f: {  	_ =	swait.ge [sflag:s15], $0x4000  }
0x60: {  	[sflag:s15] =	ssyncset.done $0x0  }
0x61: {  	[sflag:s15] =	ssyncadd.s32 $0xFFFFC000  }
0x62: {  	_ =	swait.ge [sflag:s23], $0x80  }
0x63: {  	[sflag:s23] =	ssyncset.done $0x0  }
0x64: {  	[sflag:s23] =	ssyncadd.s32 $0xFFFFFF80  }
0x65: {  	_ =	swait.ge [sflag:s24], $0x4000  }
0x66: {  	[sflag:s24] =	ssyncset.done $0x0  }
0x67: {  	[sflag:s24] =	ssyncadd.s32 $0xFFFFC000  }
0x68: {  	[spmem:s3] =	stream.indirect.scatter.add.f32 [tilespmem:s20], [sflag:$0x5], $0x80, s19, s17, $0xb8;
	[tilespmem:$0x1E900] =	vst v63  }
0x69: {  	_ =	swait.ge [sflag:s15], $0x4000  }
0x6a: {  	s25 =	sadd.s32 $0x1, s25;
	[sflag:s15] =	ssyncset.done $0x0  }
0x6b: {  	p0 =	sne.s32 s25, s13;
	[sflag:s15] =	ssyncadd.s32 $0xFFFFC000  }
.Ltmp1:
0x6c: {  	[bflag:$0x0] =	sbarrier.arrive $0xFFFF;
	(pc) =	sbr.rel @p0 .LBB2_1-.Ltmp1, $4  }
0x6d: {  	[hbm:s12], [sflag:s8] =	dma.local [spmem:s14], $0x2800  }
0x6e: {  	_ =	swait.ge [sflag:s15], $0x2800  }
0x6f: {  	[sflag:s15] =	ssyncset.done $0x0  }
0x70: {  	[sflag:s15] =	ssyncadd.s32 $0xFFFFD800  }
0x71: {  	_ =	sfence.sel $0x180000  }
0x72: {  	[bflag:$0x0] =	sbarrier.arrive $0xFFFF  }
0x73: {  	_ =	strace $0x9000004A  }
0x74: {  	[bflag:$0x2] =	sbarrier.arrive $0xFFFF  }
0x75: {  	p0 =	sne.s32 s0, $0x0;
	s0 =	rddreg [dreg:$0x3]  }
0x76: {  	s0 =	sadd.s32 @!p0 $0x100000, s0  }
0x77: {  	[sflag:s0] =	ssyncadd.tile.s32 @!p0 $0x1;
	_ =	shalt  }
.Lfunc_end2:
_tile_overlayer_lowered:
.L_overlay_start_2:
0x78: {  	(tag) =	ssettag $0x2  }
0x79: {  	s0 =	rddreg [dreg:$0x0];
	s2 =	stileid.u32  }
0x7a: {  	s1 =	rddreg [dreg:$0x1];
	p0 =	sne.s32 s2, $0x0  }
0x7b: {  	s3 =	rddreg [dreg:$0x2];
	[bflag:$0x3] =	sbarrier.arrive $0xFFFF;
	s2 =	simm.s32 @!p0 $0x1C05  }
0x7c: {  	[timem:s3], [sflag:s2] =	dma.local @!p0 [hbm:s0], s1  }
0x7d: {  	s0 =	simm.s32 @!p0 $0x5  }
0x7e: {  	_ =	swait.ge @!p0 [sflag:s0], s1  }
0x7f: {  	s1 =	ssub.s32 @!p0 $0x0, s1;
	[sflag:s0] =	ssyncset.done @!p0 $0x0  }
0x80: {  	[sflag:s0] =	ssyncadd.s32 @!p0 s1  }
0x81: {  	[bflag:$0x3] =	sbarrier.arrive $0xFFFF  }
0x82: {  	_ =	shalt  }

// kernel: kernel.15.cloned.1.call-start
scs
__scs_entry_jumppad:
0x0: {  	(pc) =	sbr.rel $0x88, $3  }
0x1: {  	(tag) =	ssettag $0x0;
	lr =	simm.s32 $0x1  }
0x2: {  	[smem:$0x3F9B] =	sst lr;
	_ =	strace $0xD0000000  }
0x3: {  	_ = 	snop  }
0x4: {  	_ = 	snop  }
0x5: {  	_ = 	snop  }
0x6: {  	_ = 	snop  }
0x7: {  	_ = 	snop  }
__scs_overlays_trampoline_lowered:
0x8: {  	[smem:$0x3FAA] =	sst s0  }
0x9: {  	[smem:$0x3FAB] =	sst s1  }
0xa: {  	[smem:$0x3FAC] =	sst s2  }
0xb: {  	[smem:$0x3FAD] =	sst s3  }
0xc: {  	[smem:$0x3FAE] =	sst s4  }
0xd: {  	[smem:$0x3FAF] =	sst s5  }
0xe: {  	[smem:$0x3FB0] =	sst s6  }
0xf: {  	[smem:$0x3FB1] =	sst s7  }
0x10: {  	[smem:$0x3FB2] =	sst s8  }
0x11: {  	[smem:$0x3FB3] =	sst s9;
	s0 =	simm.s32 @!p0 $0x0  }
0x12: {  	s1 =	sld [smem:$0x3F99];
	s0 =	simm.s32 @p0 $0x1  }
0x13: {  	[smem:$0x3FB4] =	sst s0;
	s0 =	simm.s32 @!p1 $0x0  }
0x14: {  	s2 =	sld [smem:$0x3F98];
	s0 =	simm.s32 @p1 $0x1  }
0x15: {  	[smem:$0x3FB5] =	sst s0;
	s0 =	simm.s32 @!p2 $0x0  }
0x16: {  	s3 =	sld [smem:$0x3FDB];
	s0 =	simm.s32 @p2 $0x1  }
0x17: {  	s4 =	simm.s32 $0x1BF5;
	[smem:$0x3FB7] =	sst s0  }
0x18: {  	s0 =	sld [smem:$0x3F9A];
	_ =	swait.ge [sflag:s4], $0x0  }
0x19: {  	s7 =	sld [smem:$0x3F9B]  }
0x1a: {  	s8 =	sadd.s32 $0xFFFFE003, lr  }
0x1b: {  	s9 =	sadd.s32 $0xFFFFFEF7, lr;
	s5 =	simm.s32 $0xFFFFFFFF;
	p2 =	slt.u32 s8, $0xFFFFF086  }
0x1c: {  	p1 =	slt.u32 s9, $0xF7A;
	s5 =	simm.s32 @!p2 $0x0  }
0x1d: {  	s5 =	simm.s32 @p1 $0x1;
	p0 =	seq.s32 s7, s2  }
0x1e: {  	s7 =	smul.u32 @!p0 $0xF7A, s2;
	p2 =	seq.s32 @!p0 s5, $0x0  }
0x1f: {  	s9 =	smul.u32 $0xF7A, s1;
	s8 =	simm.s32 @!p0 $0x1BF5;
	p2 =	por !p2, p0  }
0x20: {  	[sflag:s8] =	ssyncset.s32 @!p0 $0xFFFFF086;
	s6 =	sadd.s32 @!p0 s3, s7;
	s7 =	simm.s32 @!p0 $0x108  }
0x21: {  	s3 =	sadd.s32 s3, s9;
	s6 =	sadd.s32 @!p0 $0x88, s6;
	s7 =	simm.s32 @p2 $0x1082  }
0x22: {  	[simem:s7], [sflag:s8] =	dma.local @!p0 [hbm:s6], $0xF7A  }
0x23: {  	s9 =	sor.u32 $0xD0000000, s2;
	s6 =	simm.s32 $0x108;
	_ =	swait.ge @!p0 [sflag:s8], $0x0  }
0x24: {  	s3 =	sadd.s32 $0x88, s3;
	s6 =	simm.s32 @!p1 $0x1082;
	[sflag:s4] =	ssyncset.s32 $0xFFFFF086  }
0x25: {  	[simem:s6], [sflag:s4] =	dma.local [hbm:s3], $0xF7A  }
0x26: {  	[smem:$0x3F9B] =	sst s1;
	(tag) =	ssettag s2;
	_ =	strace s9  }
0x27: {  	s1 =	sld [smem:$0x3FAB]  }
0x28: {  	s2 =	sld [smem:$0x3FAC]  }
0x29: {  	s4 =	sld [smem:$0x3FAE]  }
0x2a: {  	p0 =	seq.s32 s5, $0x0;
	s5 =	sld [smem:$0x3FAF]  }
0x2b: {  	s6 =	sld [smem:$0x3FB0]  }
0x2c: {  	s7 =	sld [smem:$0x3FB1]  }
0x2d: {  	s3 =	simm.s32 $0x108;
	s8 =	sld [smem:$0x3FB2]  }
0x2e: {  	s3 =	simm.s32 @!p0 $0x1082;
	s9 =	sld [smem:$0x3FB3]  }
0x2f: {  	lr =	sadd.s32 s0, s3;
	s0 =	sld [smem:$0x3FAA]  }
0x30: {  	s3 =	sld [smem:$0x3FAD]  }
0x31: {  	[smem:$0x3FB6] =	sst s10  }
0x32: {  	s10 =	sld [smem:$0x3FB4];
	_ =	sdelay $0x3  }
0x33: {  	p0 =	seq.s32 s10, $0x1;
	s10 =	sld [smem:$0x3FB6];
	_ =	sdelay $0x3  }
0x34: {  	[smem:$0x3FB6] =	sst s10  }
0x35: {  	s10 =	sld [smem:$0x3FB5];
	_ =	sdelay $0x3  }
0x36: {  	p1 =	seq.s32 s10, $0x1;
	s10 =	sld [smem:$0x3FB6];
	_ =	sdelay $0x3  }
0x37: {  	[smem:$0x3FB6] =	sst s10  }
0x38: {  	s10 =	sld [smem:$0x3FB7]  }
0x39: {  	_ = 	snop;
	(pc) =	sbr.ind lr, $3  }
0x3a: {  	_ = 	snop  }
0x3b: {  	_ = 	snop  }
0x3c: {  	p2 =	seq.s32 s10, $0x1;
	s10 =	sld [smem:$0x3FB6]  }
0x3d: {  	_ =	shalt  }
0x3e: {  	_ =	shalt  }
0x3f: {  	_ =	shalt  }
0x40: {  	_ =	shalt  }
0x41: {  	_ =	shalt  }
0x42: {  	_ =	shalt  }
0x43: {  	_ =	shalt  }
0x44: {  	_ =	shalt  }
0x45: {  	_ =	shalt  }
0x46: {  	_ =	shalt  }
0x47: {  	_ =	shalt  }
0x48: {  	_ =	shalt  }
0x49: {  	_ =	shalt  }
0x4a: {  	_ =	shalt  }
0x4b: {  	_ =	shalt  }
0x4c: {  	_ =	shalt  }
0x4d: {  	_ =	shalt  }
0x4e: {  	_ =	shalt  }
0x4f: {  	_ =	shalt  }
0x50: {  	_ =	shalt  }
0x51: {  	_ =	shalt  }
0x52: {  	_ =	shalt  }
0x53: {  	_ =	shalt  }
0x54: {  	_ =	shalt  }
0x55: {  	_ =	shalt  }
0x56: {  	_ =	shalt  }
0x57: {  	_ =	shalt  }
0x58: {  	_ =	shalt  }
0x59: {  	_ =	shalt  }
0x5a: {  	_ =	shalt  }
0x5b: {  	_ =	shalt  }
0x5c: {  	_ =	shalt  }
0x5d: {  	_ =	shalt  }
0x5e: {  	_ =	shalt  }
0x5f: {  	_ =	shalt  }
0x60: {  	_ =	shalt  }
0x61: {  	_ =	shalt  }
0x62: {  	_ =	shalt  }
0x63: {  	_ =	shalt  }
0x64: {  	_ =	shalt  }
0x65: {  	_ =	shalt  }
0x66: {  	_ =	shalt  }
0x67: {  	_ =	shalt  }
0x68: {  	_ =	shalt  }
0x69: {  	_ =	shalt  }
0x6a: {  	_ =	shalt  }
0x6b: {  	_ =	shalt  }
0x6c: {  	_ =	shalt  }
0x6d: {  	_ =	shalt  }
0x6e: {  	_ =	shalt  }
0x6f: {  	_ =	shalt  }
0x70: {  	_ =	shalt  }
0x71: {  	_ =	shalt  }
0x72: {  	_ =	shalt  }
0x73: {  	_ =	shalt  }
0x74: {  	_ =	shalt  }
0x75: {  	_ =	shalt  }
0x76: {  	_ =	shalt  }
0x77: {  	_ =	shalt  }
0x78: {  	_ =	shalt  }
0x79: {  	_ =	shalt  }
0x7a: {  	_ =	shalt  }
0x7b: {  	_ =	shalt  }
0x7c: {  	_ =	shalt  }
0x7d: {  	_ =	shalt  }
0x7e: {  	_ =	shalt  }
0x7f: {  	_ =	shalt  }
0x80: {  	_ =	shalt  }
0x81: {  	_ =	shalt  }
0x82: {  	_ =	shalt  }
0x83: {  	_ =	shalt  }
0x84: {  	_ =	shalt  }
0x85: {  	_ =	shalt  }
0x86: {  	_ =	shalt  }
0x87: {  	_ =	shalt  }
.Lfunc_end0:
.L_simem_size_0:
called_computation.2_lowered:
.L_overlay_start_0:
0x88: {  	s2 =	sld [smem:$0x3FD9]  }
0x89: {  	s3 =	sld [smem:$0x3FFE];
	_ =	sdelay $0x1  }
0x8a: {  	s1 =	srdreg.scid  }
0x8b: {  	s0 =	sand.u32 $0x1, s1  }
0x8c: {  	s17 =	sshll.u32 s0, $0xA;
	s2 =	sadd.s32 s3, s2  }
0x8d: {  	s2 =	sadd.s32 s2, s17  }
0x8e: {  	[smem:$0x3FC2] =	sst s2  }
0x8f: {  	_ = 	snop  }
0x90: {  	s2 =	sld [smem:$0x3FD0];
	(tm) =	ssettm $0x1  }
0x91: {  	s18 =	sld [smem:$0x3FFB];
	_ =	sdelay $0x3  }
0x92: {  	_ =	strace s18  }
0x93: {  	s3 =	sld [smem:$0x3FFC];
	_ =	sdelay $0x3  }
0x94: {  	_ =	strace s3  }
0x95: {  	s3 =	sld [smem:$0x3FFD];
	_ =	sdelay $0x3  }
0x96: {  	_ =	strace s3  }
0x97: {  	_ =	strace $0x8FFFFFFF  }
0x98: {  	s19 =	sld [smem:$0x3FDB];
	_ =	sdelay $0x1  }
0x99: {  	s4 =	simm.s32 $_scs_section_size  }
0x9a: {  	s5 =	simm.s32 $_size__tile_overlayer_lowered;
	s6 =	simm.s32 $_tile_overlayer_lowered  }
0x9b: {  	s22 =	simm.s32 $0x1BFF;
	s21 =	sshll.u32 s6, $0x1;
	s3 =	sadd.s32 s4, s19  }
0x9c: {  	s7 =	simm.s32 $0x0;
	s20 =	sshll.u32 s5, $0x1;
	s5 =	sadd.s32 s21, s3  }
0x9d: {  	[timem:s7], [sflag:s22] =	dma.local [hbm:s5], s20  }
0x9e: {  	_ =	swait.ge [sflag:s22], s20  }
0x9f: {  	s4 =	ssub.s32 $0x0, s20;
	[sflag:s22] =	ssyncset.done $0x0  }
0xa0: {  	[sflag:s22] =	ssyncadd.s32 s4;
	_ =	sdelay $0x1  }
0xa1: {  	s23 =	simm.s32 $0x1B8B  }
0xa2: {  	_ =	swait.ge [sflag:s23], $0x1  }
0xa3: {  	[sflag:s23] =	ssyncset.done $0x0  }
0xa4: {  	s25 =	simm.s32 $0x1B8E;
	s24 =	sld [smem:$0x3FFE];
	[sflag:s23] =	ssyncadd.s32 $0xFFFFFFFF  }
0xa5: {  	s26 =	simm.s32 $execute0_lowered;
	[smem:$0x3FD2] =	sst s25  }
0xa6: {  	s5 =	sshll.u32 s26, $0x1;
	_ =	strace $0x8000004C;
	[dreg:$0x1] =	wrdreg $0xFFFFFFFF  }
0xa7: {  	s28 =	simm.s32 $_size_execute0_lowered;
	s3 =	sadd.s32 s3, s5;
	[dreg:$0x0] =	wrdreg $0x0  }
0xa8: {  	s5 =	sshll.u32 s28, $0x1;
	[dreg:$0x2] =	wrdreg s3  }
0xa9: {  	[dreg:$0x3] =	wrdreg s5  }
0xaa: {  	[dreg:$0x4] =	wrdreg $0xC0  }
0xab: {  	_ =	task [dreg:s7], $0x5FFFF  }
0xac: {  	[dreg:$0x1] =	wrdreg $0xFFFFFFFF  }
0xad: {  	[dreg:$0x0] =	wrdreg $0x60  }
0xae: {  	[dreg:$0x2] =	wrdreg s24  }
0xaf: {  	[dreg:$0x3] =	wrdreg s2  }
0xb0: {  	[dreg:$0x4] =	wrdreg $0xA9000  }
0xb1: {  	[dreg:$0x5] =	wrdreg $0x9  }
0xb2: {  	_ =	task.clear_ibuf [dreg:s7], $0x6FFFF;
	_ =	strace $0x9000004C  }
0xb3: {  	s29 =	simm.s32 $0x9;
	_ =	strace $0x8000004E  }
0xb4: {  	_ =	swait.ge [sflag:s29], $0x1  }
0xb5: {  	[sflag:s29] =	ssyncadd.s32 $0xFFFFFFFF  }
0xb6: {  	_ =	strace $0x9000004E  }
0xb7: {  	_ =	sfence  }
0xb8: {  	s30 =	sld [smem:$0x0];
	_ =	sdelay $0x2  }
0xb9: {  	s31 =	sshll.u32 s1, $0xD;
	s1 =	sshrl.u32 s1, $0x2  }
0xba: {  	s3 =	sand.u32 $0x4000, s31;
	s1 =	sadd.s32 s1, s30  }
0xbb: {  	s0 =	sor.u32 s3, s0;
	s1 =	sshll.u32 s1, $0x11  }
0xbc: {  	s0 =	sor.u32 s1, s0  }
0xbd: {  	s0 =	sadd.s32 $0x8F2B, s0  }
0xbe: {  	[sflag:s0] =	ssyncadd.remote.s32 $0x1  }
0xbf: {  	_ =	sfence.sel $0xFFFF  }
0xc0: {  	[dreg:$0x0] =	wrdreg $0xFFFFFFFF;
	(pc) =	sbr.abs _section_cstart, $3  }
0xc1: {  	[dreg:$0x1] =	wrdreg $0xFFFFFFFF  }
0xc2: {  	_ =	task.clear_ibuf [dreg:s7], $0x2FFFF;
	_ =	strace $0x9FFFFFFF  }
0xc3: {  	(tm) =	ssettm $0x7FFFFFFF  }
tec
execute0_lowered:
.L_overlay_start_1:
0x0: {  	(tag) =	ssettag $0x1  }
0x1: {  	s1 =	srdreg.scid;
	s8 =	rddreg [dreg:$0x0]  }
0x2: {  	s0 =	stileid.u32;
	s2 =	rddreg [dreg:$0x1]  }
0x3: {  	s3 =	rddreg [dreg:$0x2];
	s5 =	simm.s32 $0x0;
	s16 =	simm.s32 $0x2800  }
0x4: {  	s17 =	simm.s32 $0x80;
	s18 =	simm.s32 $0x2900;
	s19 =	simm.s32 $0x2880  }
0x5: {  	s20 =	simm.s32 $0x6900;
	s21 =	simm.s32 $0x1;
	s22 =	simm.s32 $0x3  }
0x6: {  	s23 =	simm.s32 $0x2;
	s24 =	simm.s32 $0x4;
	s25 =	simm.s32 $0x0  }
0x7: {  	s9 =	sand.u32 $0x1, s1;
	s26 =	sshll.u32 s0, $0x1;
	s10 =	smul.u32 $0x14000, s0  }
0x8: {  	[smem:$0x7FF] =	sst s5;
	s6 =	sadd.s32 $0xF800, s8;
	s13 =	smul.u32 $0x50000, s0  }
0x9: {  	s31 =	sshll.u32 s0, $0x6;
	s1 =	sor.u32 s9, s26;
	s7 =	smul.u32 $0x140000, s9  }
0xa: {  	_ =	strace $0x8000004D;
	s9 =	ssub.s32 $0x2, s9;
	s4 =	smul.u32 $0x2800, s1  }
0xb: {  	s28 =	sshrl.u32 s9, $0x1;
	s29 =	sshrl.u32 s13, $0x2;
	s10 =	sadd.s32 s10, s7  }
0xc: {  	s7 =	sadd.s32 $0xD000, s8;
	s30 =	ssub.s32 s9, s28;
	s15 =	sadd.s32 s29, s3  }
0xd: {  	s11 =	sshrl.u32 s4, $0x3;
	s10 =	sshrl.u32 s10, $0x3;
	s13 =	smax.u32 s30, $0x1  }
0xe: {  	s12 =	sadd.s32 s11, s8;
	s14 =	sadd.s32 s10, s8;
	s10 =	sadd.s32 s2, s11  }
0xf: {  	s8 =	sor.u32 $0x1C05, s31;
	s9 =	sadd.s32 $0x2800, s12;
	s11 =	sadd.s32 $0x10, s10  }
0x10: {  	s12 =	sadd.s32 $0x37800, s14;
	s14 =	sshrl.u32 s15, $0x3;
	s15 =	simm.s32 $0x5  }
.LBB2_1:
0x11: {  	[spmem:s14], [sflag:s8] =	dma.local [hbm:s7], $0x2800  }
0x12: {  	_ =	swait.ge [sflag:s15], $0x2800  }
0x13: {  	[sflag:s15] =	ssyncset.done $0x0  }
0x14: {  	[sflag:s15] =	ssyncadd.s32 $0xFFFFD800  }
0x15: {  	[tilespmem:s5], [sflag:$0x5] =	stream.linear.gather [hbm4b:s9+s5], $0x2800, $0x38;
	[tilespmem:$0x1E900] =	vst v63  }
0x16: {  	_ =	swait.ge [sflag:s15], $0x2800  }
0x17: {  	[sflag:s15] =	ssyncset.done $0x0  }
0x18: {  	[sflag:s15] =	ssyncadd.s32 $0xFFFFD800  }
0x19: {  	[bflag:$0x0] =	sbarrier.arrive $0xFFFF  }
0x1a: {  	[tilespmem:s16], [sflag:$0x1] =	stream.linear.gather [hbm4b:s10+s5], $0x80, $0x38;
	[tilespmem:$0x1E900] =	vst v63  }
0x1b: {  	_ = 	snop  }
0x1c: {  	[tilespmem:s18], [sflag:$0x3] =	stream.indirect.gather [hbm4b:s6+s17], $0x80, s5, s17, $0xb8;
	[tilespmem:$0x1E900] =	vst v63  }
0x1d: {  	_ = 	snop  }
0x1e: {  	[tilespmem:s19], [sflag:$0x2] =	stream.linear.gather [hbm4b:s11+s5], $0x80, $0x38;
	[tilespmem:$0x1E900] =	vst v63  }
0x1f: {  	_ = 	snop  }
0x20: {  	[tilespmem:s20], [sflag:$0x4] =	stream.indirect.gather [hbm4b:s6+s17], $0x80, s17, s17, $0xb8;
	[tilespmem:$0x1E900] =	vst v63  }
0x21: {  	_ =	swait.ge [sflag:s21], $0x80  }
0x22: {  	[sflag:s21] =	ssyncset.done $0x0  }
0x23: {  	[sflag:s21] =	ssyncadd.s32 $0xFFFFFF80  }
0x24: {  	s26 =	simm.s32 $0x100;
	_ =	swait.ge [sflag:s22], $0x4000  }
0x25: {  	s28 =	sand.u32 $0x7C00, s26;
	[sflag:s22] =	ssyncset.done $0x0  }
0x26: {  	s26 =	sand.u32 $0x300, s26;
	s28 =	sadd.s32 s4, s28;
	[sflag:s22] =	ssyncadd.s32 $0xFFFFC000  }
0x27: {  	[spmem:s3] =	stream.indirect.scatter.add.f32 [tilespmem:s18], [sflag:$0x5], $0x80, s16, s17, $0xb8;
	[tilespmem:$0x1E900] =	vst v63  }
0x28: {  	s26 =	sor.u32 s26, s28;
	_ =	swait.ge [sflag:s15], $0x4000  }
0x29: {  	s26 =	sshrl.u32 s26, $0x3;
	[sflag:s15] =	ssyncset.done $0x0  }
0x2a: {  	s26 =	sadd.s32 s2, s26;
	[sflag:s15] =	ssyncadd.s32 $0xFFFFC000  }
0x2b: {  	[tilespmem:s16], [sflag:$0x1] =	stream.linear.gather [hbm4b:s26+s5], $0x80, $0x38;
	[tilespmem:$0x1E900] =	vst v63  }
0x2c: {  	s30 =	simm.s32 $0x100  }
0x2d: {  	[tilespmem:s18], [sflag:$0x3] =	stream.indirect.gather [hbm4b:s6+s17], $0x80, s30, s17, $0xb8;
	[tilespmem:$0x1E900] =	vst v63  }
0x2e: {  	_ =	swait.ge [sflag:s23], $0x80  }
0x2f: {  	[sflag:s23] =	ssyncset.done $0x0  }
0x30: {  	[sflag:s23] =	ssyncadd.s32 $0xFFFFFF80  }
0x31: {  	s31 =	simm.s32 $0x180;
	_ =	swait.ge [sflag:s24], $0x4000  }
0x32: {  	s28 =	sand.u32 $0x7C00, s31;
	[sflag:s24] =	ssyncset.done $0x0  }
0x33: {  	s28 =	sadd.s32 s4, s28;
	s26 =	sand.u32 $0x380, s31;
	[sflag:s24] =	ssyncadd.s32 $0xFFFFC000  }
0x34: {  	[spmem:s3] =	stream.indirect.scatter.add.f32 [tilespmem:s20], [sflag:$0x5], $0x80, s19, s17, $0xb8;
	[tilespmem:$0x1E900] =	vst v63  }
0x35: {  	s26 =	sor.u32 s26, s28;
	_ =	swait.ge [sflag:s15], $0x4000  }
0x36: {  	s26 =	sshrl.u32 s26, $0x3;
	[sflag:s15] =	ssyncset.done $0x0  }
0x37: {  	s26 =	sadd.s32 s2, s26;
	[sflag:s15] =	ssyncadd.s32 $0xFFFFC000  }
0x38: {  	[tilespmem:s19], [sflag:$0x2] =	stream.linear.gather [hbm4b:s26+s5], $0x80, $0x38;
	[tilespmem:$0x1E900] =	vst v63  }
0x39: {  	s29 =	simm.s32 $0x200;
	s28 =	simm.s32 $0x180;
	s26 =	simm.s32 $0x280  }
.LBB2_2:
0x3a: {  	s30 =	sadd.s32 $0x80, s29  }
0x3b: {  	p0 =	sne.s32 s26, $0x2780;
	s31 =	smov.u32 s26;
	s26 =	sadd.s32 $0x100, s26  }
0x3c: {  	[tilespmem:s20], [sflag:$0x4] =	stream.indirect.gather [hbm4b:s6+s17], $0x80, s28, s17, $0xb8;
	[tilespmem:$0x1E900] =	vst v63  }
0x3d: {  	s28 =	smov.u32 s30;
	_ =	swait.ge [sflag:s21], $0x80  }
0x3e: {  	[sflag:s21] =	ssyncset.done $0x0  }
0x3f: {  	[sflag:s21] =	ssyncadd.s32 $0xFFFFFF80  }
0x40: {  	_ =	swait.ge [sflag:s22], $0x4000  }
0x41: {  	s30 =	sadd.s32 $0xFFFFFF80, s31;
	[sflag:s22] =	ssyncset.done $0x0  }
0x42: {  	s1 =	sand.u32 $0x7C00, s30;
	s30 =	sand.u32 $0x300, s30;
	[sflag:s22] =	ssyncadd.s32 $0xFFFFC000  }
0x43: {  	[spmem:s3] =	stream.indirect.scatter.add.f32 [tilespmem:s18], [sflag:$0x5], $0x80, s16, s17, $0xb8;
	[tilespmem:$0x1E900] =	vst v63  }
0x44: {  	s1 =	sadd.s32 s4, s1;
	_ =	swait.ge [sflag:s15], $0x4000  }
0x45: {  	s1 =	sor.u32 s30, s1;
	[sflag:s15] =	ssyncset.done $0x0  }
0x46: {  	s1 =	sshrl.u32 s1, $0x3;
	[sflag:s15] =	ssyncadd.s32 $0xFFFFC000  }
0x47: {  	s1 =	sadd.s32 s2, s1  }
0x48: {  	[tilespmem:s16], [sflag:$0x1] =	stream.linear.gather [hbm4b:s1+s5], $0x80, $0x38;
	[tilespmem:$0x1E900] =	vst v63  }
0x49: {  	_ = 	snop  }
0x4a: {  	[tilespmem:s18], [sflag:$0x3] =	stream.indirect.gather [hbm4b:s6+s17], $0x80, s29, s17, $0xb8;
	[tilespmem:$0x1E900] =	vst v63  }
0x4b: {  	_ =	swait.ge [sflag:s23], $0x80  }
0x4c: {  	[sflag:s23] =	ssyncset.done $0x0  }
0x4d: {  	[sflag:s23] =	ssyncadd.s32 $0xFFFFFF80  }
0x4e: {  	_ =	swait.ge [sflag:s24], $0x4000  }
0x4f: {  	s1 =	sand.u32 $0x7C00, s31;
	[sflag:s24] =	ssyncset.done $0x0  }
0x50: {  	s30 =	sand.u32 $0x380, s31;
	s1 =	sadd.s32 s4, s1;
	[sflag:s24] =	ssyncadd.s32 $0xFFFFC000  }
0x51: {  	[spmem:s3] =	stream.indirect.scatter.add.f32 [tilespmem:s20], [sflag:$0x5], $0x80, s19, s17, $0xb8;
	[tilespmem:$0x1E900] =	vst v63  }
.Ltmp0:
0x52: {  	_ = 	snop;
	(pc) =	sbr.rel @p0 .LBB2_2-.Ltmp0, $4  }
0x53: {  	s1 =	sor.u32 s30, s1;
	_ =	swait.ge [sflag:s15], $0x4000  }
0x54: {  	s1 =	sshrl.u32 s1, $0x3;
	[sflag:s15] =	ssyncset.done $0x0  }
0x55: {  	s29 =	sadd.s32 $0x100, s29;
	s1 =	sadd.s32 s2, s1;
	[sflag:s15] =	ssyncadd.s32 $0xFFFFC000  }
0x56: {  	[tilespmem:s19], [sflag:$0x2] =	stream.linear.gather [hbm4b:s1+s5], $0x80, $0x38;
	[tilespmem:$0x1E900] =	vst v63  }
0x57: {  	[tilespmem:s20], [sflag:$0x4] =	stream.indirect.gather [hbm4b:s6+s17], $0x80, s28, s17, $0xb8;
	[tilespmem:$0x1E900] =	vst v63  }
0x58: {  	_ =	swait.ge [sflag:s21], $0x80  }
0x59: {  	[sflag:s21] =	ssyncset.done $0x0  }
0x5a: {  	[sflag:s21] =	ssyncadd.s32 $0xFFFFFF80  }
0x5b: {  	_ =	swait.ge [sflag:s22], $0x4000  }
0x5c: {  	[sflag:s22] =	ssyncset.done $0x0  }
0x5d: {  	[sflag:s22] =	ssyncadd.s32 $0xFFFFC000  }
0x5e: {  	[spmem:s3] =	stream.indirect.scatter.add.f32 [tilespmem:s18], [sflag:$0x5], $0x80, s16, s17, $0xb8;
	[tilespmem:$0x1E900] =	vst v63  }
0x5f: {  	_ =	swait.ge [sflag:s15], $0x4000  }
0x60: {  	[sflag:s15] =	ssyncset.done $0x0  }
0x61: {  	[sflag:s15] =	ssyncadd.s32 $0xFFFFC000  }
0x62: {  	_ =	swait.ge [sflag:s23], $0x80  }
0x63: {  	[sflag:s23] =	ssyncset.done $0x0  }
0x64: {  	[sflag:s23] =	ssyncadd.s32 $0xFFFFFF80  }
0x65: {  	_ =	swait.ge [sflag:s24], $0x4000  }
0x66: {  	[sflag:s24] =	ssyncset.done $0x0  }
0x67: {  	[sflag:s24] =	ssyncadd.s32 $0xFFFFC000  }
0x68: {  	[spmem:s3] =	stream.indirect.scatter.add.f32 [tilespmem:s20], [sflag:$0x5], $0x80, s19, s17, $0xb8;
	[tilespmem:$0x1E900] =	vst v63  }
0x69: {  	_ =	swait.ge [sflag:s15], $0x4000  }
0x6a: {  	s25 =	sadd.s32 $0x1, s25;
	[sflag:s15] =	ssyncset.done $0x0  }
0x6b: {  	p0 =	sne.s32 s25, s13;
	[sflag:s15] =	ssyncadd.s32 $0xFFFFC000  }
.Ltmp1:
0x6c: {  	[bflag:$0x0] =	sbarrier.arrive $0xFFFF;
	(pc) =	sbr.rel @p0 .LBB2_1-.Ltmp1, $4  }
0x6d: {  	[hbm:s12], [sflag:s8] =	dma.local [spmem:s14], $0x2800  }
0x6e: {  	_ =	swait.ge [sflag:s15], $0x2800  }
0x6f: {  	[sflag:s15] =	ssyncset.done $0x0  }
0x70: {  	[sflag:s15] =	ssyncadd.s32 $0xFFFFD800  }
0x71: {  	_ =	sfence.sel $0x180000  }
0x72: {  	[bflag:$0x0] =	sbarrier.arrive $0xFFFF  }
0x73: {  	_ =	strace $0x9000004D  }
0x74: {  	[bflag:$0x2] =	sbarrier.arrive $0xFFFF  }
0x75: {  	p0 =	sne.s32 s0, $0x0;
	s0 =	rddreg [dreg:$0x3]  }
0x76: {  	s0 =	sadd.s32 @!p0 $0x100000, s0  }
0x77: {  	[sflag:s0] =	ssyncadd.tile.s32 @!p0 $0x1;
	_ =	shalt  }
.Lfunc_end2:
_tile_overlayer_lowered:
.L_overlay_start_2:
0x78: {  	(tag) =	ssettag $0x2  }
0x79: {  	s0 =	rddreg [dreg:$0x0];
	s2 =	stileid.u32  }
0x7a: {  	s1 =	rddreg [dreg:$0x1];
	p0 =	sne.s32 s2, $0x0  }
0x7b: {  	s3 =	rddreg [dreg:$0x2];
	[bflag:$0x3] =	sbarrier.arrive $0xFFFF;
	s2 =	simm.s32 @!p0 $0x1C05  }
0x7c: {  	[timem:s3], [sflag:s2] =	dma.local @!p0 [hbm:s0], s1  }
0x7d: {  	s0 =	simm.s32 @!p0 $0x5  }
0x7e: {  	_ =	swait.ge @!p0 [sflag:s0], s1  }
0x7f: {  	s1 =	ssub.s32 @!p0 $0x0, s1;
	[sflag:s0] =	ssyncset.done @!p0 $0x0  }
0x80: {  	[sflag:s0] =	ssyncadd.s32 @!p0 s1  }
0x81: {  	[bflag:$0x3] =	sbarrier.arrive $0xFFFF  }
0x82: {  	_ =	shalt  }

// kernel: kernel.9.cloned.1.call-start
scs
__scs_entry_jumppad:
0x0: {  	(pc) =	sbr.rel $0x88, $3  }
0x1: {  	(tag) =	ssettag $0x0;
	lr =	simm.s32 $0x1  }
0x2: {  	[smem:$0x3F9B] =	sst lr;
	_ =	strace $0xD0000000  }
0x3: {  	_ = 	snop  }
0x4: {  	_ = 	snop  }
0x5: {  	_ = 	snop  }
0x6: {  	_ = 	snop  }
0x7: {  	_ = 	snop  }
__scs_overlays_trampoline_lowered:
0x8: {  	[smem:$0x3FAA] =	sst s0  }
0x9: {  	[smem:$0x3FAB] =	sst s1  }
0xa: {  	[smem:$0x3FAC] =	sst s2  }
0xb: {  	[smem:$0x3FAD] =	sst s3  }
0xc: {  	[smem:$0x3FAE] =	sst s4  }
0xd: {  	[smem:$0x3FAF] =	sst s5  }
0xe: {  	[smem:$0x3FB0] =	sst s6  }
0xf: {  	[smem:$0x3FB1] =	sst s7  }
0x10: {  	[smem:$0x3FB2] =	sst s8  }
0x11: {  	[smem:$0x3FB3] =	sst s9;
	s0 =	simm.s32 @!p0 $0x0  }
0x12: {  	s1 =	sld [smem:$0x3F99];
	s0 =	simm.s32 @p0 $0x1  }
0x13: {  	[smem:$0x3FB4] =	sst s0;
	s0 =	simm.s32 @!p1 $0x0  }
0x14: {  	s2 =	sld [smem:$0x3F98];
	s0 =	simm.s32 @p1 $0x1  }
0x15: {  	[smem:$0x3FB5] =	sst s0;
	s0 =	simm.s32 @!p2 $0x0  }
0x16: {  	s3 =	sld [smem:$0x3FDB];
	s0 =	simm.s32 @p2 $0x1  }
0x17: {  	s4 =	simm.s32 $0x1BF5;
	[smem:$0x3FB7] =	sst s0  }
0x18: {  	s0 =	sld [smem:$0x3F9A];
	_ =	swait.ge [sflag:s4], $0x0  }
0x19: {  	s7 =	sld [smem:$0x3F9B]  }
0x1a: {  	s8 =	sadd.s32 $0xFFFFE003, lr  }
0x1b: {  	s9 =	sadd.s32 $0xFFFFFEF7, lr;
	s5 =	simm.s32 $0xFFFFFFFF;
	p2 =	slt.u32 s8, $0xFFFFF086  }
0x1c: {  	p1 =	slt.u32 s9, $0xF7A;
	s5 =	simm.s32 @!p2 $0x0  }
0x1d: {  	s5 =	simm.s32 @p1 $0x1;
	p0 =	seq.s32 s7, s2  }
0x1e: {  	s7 =	smul.u32 @!p0 $0xF7A, s2;
	p2 =	seq.s32 @!p0 s5, $0x0  }
0x1f: {  	s9 =	smul.u32 $0xF7A, s1;
	s8 =	simm.s32 @!p0 $0x1BF5;
	p2 =	por !p2, p0  }
0x20: {  	[sflag:s8] =	ssyncset.s32 @!p0 $0xFFFFF086;
	s6 =	sadd.s32 @!p0 s3, s7;
	s7 =	simm.s32 @!p0 $0x108  }
0x21: {  	s3 =	sadd.s32 s3, s9;
	s6 =	sadd.s32 @!p0 $0x88, s6;
	s7 =	simm.s32 @p2 $0x1082  }
0x22: {  	[simem:s7], [sflag:s8] =	dma.local @!p0 [hbm:s6], $0xF7A  }
0x23: {  	s9 =	sor.u32 $0xD0000000, s2;
	s6 =	simm.s32 $0x108;
	_ =	swait.ge @!p0 [sflag:s8], $0x0  }
0x24: {  	s3 =	sadd.s32 $0x88, s3;
	s6 =	simm.s32 @!p1 $0x1082;
	[sflag:s4] =	ssyncset.s32 $0xFFFFF086  }
0x25: {  	[simem:s6], [sflag:s4] =	dma.local [hbm:s3], $0xF7A  }
0x26: {  	[smem:$0x3F9B] =	sst s1;
	(tag) =	ssettag s2;
	_ =	strace s9  }
0x27: {  	s1 =	sld [smem:$0x3FAB]  }
0x28: {  	s2 =	sld [smem:$0x3FAC]  }
0x29: {  	s4 =	sld [smem:$0x3FAE]  }
0x2a: {  	p0 =	seq.s32 s5, $0x0;
	s5 =	sld [smem:$0x3FAF]  }
0x2b: {  	s6 =	sld [smem:$0x3FB0]  }
0x2c: {  	s7 =	sld [smem:$0x3FB1]  }
0x2d: {  	s3 =	simm.s32 $0x108;
	s8 =	sld [smem:$0x3FB2]  }
0x2e: {  	s3 =	simm.s32 @!p0 $0x1082;
	s9 =	sld [smem:$0x3FB3]  }
0x2f: {  	lr =	sadd.s32 s0, s3;
	s0 =	sld [smem:$0x3FAA]  }
0x30: {  	s3 =	sld [smem:$0x3FAD]  }
0x31: {  	[smem:$0x3FB6] =	sst s10  }
0x32: {  	s10 =	sld [smem:$0x3FB4];
	_ =	sdelay $0x3  }
0x33: {  	p0 =	seq.s32 s10, $0x1;
	s10 =	sld [smem:$0x3FB6];
	_ =	sdelay $0x3  }
0x34: {  	[smem:$0x3FB6] =	sst s10  }
0x35: {  	s10 =	sld [smem:$0x3FB5];
	_ =	sdelay $0x3  }
0x36: {  	p1 =	seq.s32 s10, $0x1;
	s10 =	sld [smem:$0x3FB6];
	_ =	sdelay $0x3  }
0x37: {  	[smem:$0x3FB6] =	sst s10  }
0x38: {  	s10 =	sld [smem:$0x3FB7]  }
0x39: {  	_ = 	snop;
	(pc) =	sbr.ind lr, $3  }
0x3a: {  	_ = 	snop  }
0x3b: {  	_ = 	snop  }
0x3c: {  	p2 =	seq.s32 s10, $0x1;
	s10 =	sld [smem:$0x3FB6]  }
0x3d: {  	_ =	shalt  }
0x3e: {  	_ =	shalt  }
0x3f: {  	_ =	shalt  }
0x40: {  	_ =	shalt  }
0x41: {  	_ =	shalt  }
0x42: {  	_ =	shalt  }
0x43: {  	_ =	shalt  }
0x44: {  	_ =	shalt  }
0x45: {  	_ =	shalt  }
0x46: {  	_ =	shalt  }
0x47: {  	_ =	shalt  }
0x48: {  	_ =	shalt  }
0x49: {  	_ =	shalt  }
0x4a: {  	_ =	shalt  }
0x4b: {  	_ =	shalt  }
0x4c: {  	_ =	shalt  }
0x4d: {  	_ =	shalt  }
0x4e: {  	_ =	shalt  }
0x4f: {  	_ =	shalt  }
0x50: {  	_ =	shalt  }
0x51: {  	_ =	shalt  }
0x52: {  	_ =	shalt  }
0x53: {  	_ =	shalt  }
0x54: {  	_ =	shalt  }
0x55: {  	_ =	shalt  }
0x56: {  	_ =	shalt  }
0x57: {  	_ =	shalt  }
0x58: {  	_ =	shalt  }
0x59: {  	_ =	shalt  }
0x5a: {  	_ =	shalt  }
0x5b: {  	_ =	shalt  }
0x5c: {  	_ =	shalt  }
0x5d: {  	_ =	shalt  }
0x5e: {  	_ =	shalt  }
0x5f: {  	_ =	shalt  }
0x60: {  	_ =	shalt  }
0x61: {  	_ =	shalt  }
0x62: {  	_ =	shalt  }
0x63: {  	_ =	shalt  }
0x64: {  	_ =	shalt  }
0x65: {  	_ =	shalt  }
0x66: {  	_ =	shalt  }
0x67: {  	_ =	shalt  }
0x68: {  	_ =	shalt  }
0x69: {  	_ =	shalt  }
0x6a: {  	_ =	shalt  }
0x6b: {  	_ =	shalt  }
0x6c: {  	_ =	shalt  }
0x6d: {  	_ =	shalt  }
0x6e: {  	_ =	shalt  }
0x6f: {  	_ =	shalt  }
0x70: {  	_ =	shalt  }
0x71: {  	_ =	shalt  }
0x72: {  	_ =	shalt  }
0x73: {  	_ =	shalt  }
0x74: {  	_ =	shalt  }
0x75: {  	_ =	shalt  }
0x76: {  	_ =	shalt  }
0x77: {  	_ =	shalt  }
0x78: {  	_ =	shalt  }
0x79: {  	_ =	shalt  }
0x7a: {  	_ =	shalt  }
0x7b: {  	_ =	shalt  }
0x7c: {  	_ =	shalt  }
0x7d: {  	_ =	shalt  }
0x7e: {  	_ =	shalt  }
0x7f: {  	_ =	shalt  }
0x80: {  	_ =	shalt  }
0x81: {  	_ =	shalt  }
0x82: {  	_ =	shalt  }
0x83: {  	_ =	shalt  }
0x84: {  	_ =	shalt  }
0x85: {  	_ =	shalt  }
0x86: {  	_ =	shalt  }
0x87: {  	_ =	shalt  }
.Lfunc_end0:
.L_simem_size_0:
called_computation_lowered:
.L_overlay_start_0:
0x88: {  	s2 =	sld [smem:$0x3FD9]  }
0x89: {  	s3 =	sld [smem:$0x3FFE];
	_ =	sdelay $0x1  }
0x8a: {  	s1 =	srdreg.scid  }
0x8b: {  	s0 =	sand.u32 $0x1, s1  }
0x8c: {  	s17 =	sshll.u32 s0, $0xA;
	s2 =	sadd.s32 s3, s2  }
0x8d: {  	s2 =	sadd.s32 s2, s17  }
0x8e: {  	[smem:$0x3FC2] =	sst s2  }
0x8f: {  	_ = 	snop  }
0x90: {  	s2 =	sld [smem:$0x3FD0];
	(tm) =	ssettm $0x1  }
0x91: {  	s18 =	sld [smem:$0x3FFB];
	_ =	sdelay $0x3  }
0x92: {  	_ =	strace s18  }
0x93: {  	s3 =	sld [smem:$0x3FFC];
	_ =	sdelay $0x3  }
0x94: {  	_ =	strace s3  }
0x95: {  	s3 =	sld [smem:$0x3FFD];
	_ =	sdelay $0x3  }
0x96: {  	_ =	strace s3  }
0x97: {  	_ =	strace $0x8FFFFFFF  }
0x98: {  	s19 =	sld [smem:$0x3FDB];
	_ =	sdelay $0x1  }
0x99: {  	s4 =	simm.s32 $_scs_section_size  }
0x9a: {  	s5 =	simm.s32 $_size__tile_overlayer_lowered;
	s6 =	simm.s32 $_tile_overlayer_lowered  }
0x9b: {  	s22 =	simm.s32 $0x1BFF;
	s21 =	sshll.u32 s6, $0x1;
	s3 =	sadd.s32 s4, s19  }
0x9c: {  	s7 =	simm.s32 $0x0;
	s20 =	sshll.u32 s5, $0x1;
	s5 =	sadd.s32 s21, s3  }
0x9d: {  	[timem:s7], [sflag:s22] =	dma.local [hbm:s5], s20  }
0x9e: {  	_ =	swait.ge [sflag:s22], s20  }
0x9f: {  	s4 =	ssub.s32 $0x0, s20;
	[sflag:s22] =	ssyncset.done $0x0  }
0xa0: {  	[sflag:s22] =	ssyncadd.s32 s4;
	_ =	sdelay $0x1  }
0xa1: {  	s23 =	simm.s32 $0x1B8B  }
0xa2: {  	_ =	swait.ge [sflag:s23], $0x1  }
0xa3: {  	[sflag:s23] =	ssyncset.done $0x0  }
0xa4: {  	s25 =	simm.s32 $0x1B8E;
	s24 =	sld [smem:$0x3FFE];
	[sflag:s23] =	ssyncadd.s32 $0xFFFFFFFF  }
0xa5: {  	s26 =	simm.s32 $execute0_lowered;
	[smem:$0x3FD2] =	sst s25  }
0xa6: {  	s5 =	sshll.u32 s26, $0x1;
	_ =	strace $0x80000046;
	[dreg:$0x1] =	wrdreg $0xFFFFFFFF  }
0xa7: {  	s28 =	simm.s32 $_size_execute0_lowered;
	s3 =	sadd.s32 s3, s5;
	[dreg:$0x0] =	wrdreg $0x0  }
0xa8: {  	s5 =	sshll.u32 s28, $0x1;
	[dreg:$0x2] =	wrdreg s3  }
0xa9: {  	[dreg:$0x3] =	wrdreg s5  }
0xaa: {  	[dreg:$0x4] =	wrdreg $0xC0  }
0xab: {  	_ =	task [dreg:s7], $0x5FFFF  }
0xac: {  	[dreg:$0x1] =	wrdreg $0xFFFFFFFF  }
0xad: {  	[dreg:$0x0] =	wrdreg $0x60  }
0xae: {  	[dreg:$0x2] =	wrdreg s2  }
0xaf: {  	[dreg:$0x3] =	wrdreg s24  }
0xb0: {  	[dreg:$0x4] =	wrdreg $0x68000  }
0xb1: {  	[dreg:$0x5] =	wrdreg $0x9  }
0xb2: {  	_ =	task.clear_ibuf [dreg:s7], $0x6FFFF;
	_ =	strace $0x90000046  }
0xb3: {  	s29 =	simm.s32 $0x9;
	_ =	strace $0x80000048  }
0xb4: {  	_ =	swait.ge [sflag:s29], $0x1  }
0xb5: {  	[sflag:s29] =	ssyncadd.s32 $0xFFFFFFFF  }
0xb6: {  	_ =	strace $0x90000048  }
0xb7: {  	_ =	sfence  }
0xb8: {  	s30 =	sld [smem:$0x0];
	_ =	sdelay $0x2  }
0xb9: {  	s31 =	sshll.u32 s1, $0xD;
	s1 =	sshrl.u32 s1, $0x2  }
0xba: {  	s3 =	sand.u32 $0x4000, s31;
	s1 =	sadd.s32 s1, s30  }
0xbb: {  	s0 =	sor.u32 s3, s0;
	s1 =	sshll.u32 s1, $0x11  }
0xbc: {  	s0 =	sor.u32 s1, s0  }
0xbd: {  	s0 =	sadd.s32 $0x8F2B, s0  }
0xbe: {  	[sflag:s0] =	ssyncadd.remote.s32 $0x1  }
0xbf: {  	_ =	sfence.sel $0xFFFF  }
0xc0: {  	[dreg:$0x0] =	wrdreg $0xFFFFFFFF;
	(pc) =	sbr.abs _section_cstart, $3  }
0xc1: {  	[dreg:$0x1] =	wrdreg $0xFFFFFFFF  }
0xc2: {  	_ =	task.clear_ibuf [dreg:s7], $0x2FFFF;
	_ =	strace $0x9FFFFFFF  }
0xc3: {  	(tm) =	ssettm $0x7FFFFFFF  }
tec
execute0_lowered:
.L_overlay_start_1:
0x0: {  	(tag) =	ssettag $0x1  }
0x1: {  	s0 =	rddreg [dreg:$0x0]  }
0x2: {  	s6 =	rddreg [dreg:$0x1]  }
0x3: {  	s1 =	rddreg [dreg:$0x2];
	s2 =	srdreg.scid;
	s3 =	simm.s32 $0x0  }
0x4: {  	s12 =	simm.s32 $0x2800;
	s13 =	simm.s32 $0x80;
	s14 =	simm.s32 $0x100  }
0x5: {  	s15 =	simm.s32 $0x180;
	s16 =	simm.s32 $0x200;
	s17 =	simm.s32 $0x280  }
0x6: {  	s18 =	simm.s32 $0x300;
	s19 =	simm.s32 $0x380;
	s20 =	simm.s32 $0x400  }
0x7: {  	s21 =	simm.s32 $0x480;
	s22 =	simm.s32 $0x500;
	s23 =	simm.s32 $0x580  }
0x8: {  	s28 =	simm.s32 $0x780;
	s29 =	simm.s32 $0x1;
	s7 =	sand.u32 $0x1, s2  }
0x9: {  	s30 =	simm.s32 $0x0;
	s2 =	stileid.u32;
	s8 =	smul.u32 $0x140000, s7  }
0xa: {  	[smem:$0x7FF] =	sst s3;
	s4 =	sadd.s32 $0xC800, s6;
	s9 =	smul.u32 $0x14000, s2  }
0xb: {  	s5 =	sadd.s32 $0xD000, s6;
	_ =	strace $0x80000047;
	s24 =	smul.u32 $0x50000, s2  }
0xc: {  	s10 =	sshll.u32 s2, $0x1;
	s25 =	ssub.s32 $0x2, s7;
	s31 =	sshll.u32 s2, $0x6  }
0xd: {  	s7 =	sor.u32 s7, s10;
	s26 =	sshrl.u32 s25, $0x1;
	s8 =	sadd.s32 s9, s8  }
0xe: {  	s9 =	sshrl.u32 s24, $0x2;
	s7 =	smul.u32 $0x500, s7;
	s10 =	ssub.s32 s25, s26  }
0xf: {  	s24 =	simm.s32 $0x600;
	s25 =	simm.s32 $0x680;
	s26 =	simm.s32 $0x700  }
0x10: {  	s8 =	sshrl.u32 s8, $0x3;
	s11 =	sadd.s32 s9, s1;
	s9 =	smax.u32 s10, $0x1  }
0x11: {  	s8 =	sadd.s32 s8, s6;
	s6 =	sor.u32 $0x1C02, s31;
	s7 =	sadd.s32 s0, s7  }
0x12: {  	s10 =	sshrl.u32 s11, $0x3;
	s11 =	simm.s32 $0x2;
	s8 =	sadd.s32 $0xF800, s8  }
.LBB2_1:
0x13: {  	[spmem:s10], [sflag:s6] =	dma.local [hbm:s5], $0x2800  }
0x14: {  	_ =	swait.ge [sflag:s11], $0x2800  }
0x15: {  	[sflag:s11] =	ssyncset.done $0x0  }
0x16: {  	[sflag:s11] =	ssyncadd.s32 $0xFFFFD800  }
0x17: {  	[tilespmem:s12], [sflag:$0x2] =	stream.linear.gather [hbm4b:s4+s3], $0x4000, $0x38;
	[tilespmem:$0x1A800] =	vst v63  }
0x18: {  	_ =	swait.ge [sflag:s11], $0x4000  }
0x19: {  	[sflag:s11] =	ssyncset.done $0x0  }
0x1a: {  	[sflag:s11] =	ssyncadd.s32 $0xFFFFC000  }
0x1b: {  	[tilespmem:s3], [sflag:$0x2] =	stream.linear.gather [hbm4b:s7+s3], $0x2800, $0x38;
	[tilespmem:$0x1A800] =	vst v63  }
0x1c: {  	_ =	swait.ge [sflag:s11], $0x2800  }
0x1d: {  	[sflag:s11] =	ssyncset.done $0x0  }
0x1e: {  	[sflag:s11] =	ssyncadd.s32 $0xFFFFD800  }
0x1f: {  	[bflag:$0x0] =	sbarrier.arrive $0xFFFF  }
0x20: {  	[spmem:s1] =	stream.indirect.scatter.add.f32 [tilespmem:s12], [sflag:$0x1], $0x80, s3, s13, $0xb8;
	[tilespmem:$0x1A800] =	vst v63  }
0x21: {  	_ = 	snop  }
0x22: {  	[spmem:s1] =	stream.indirect.scatter.add.f32 [tilespmem:s12], [sflag:$0x1], $0x80, s13, s13, $0xb8;
	[tilespmem:$0x1A800] =	vst v63  }
0x23: {  	_ = 	snop  }
0x24: {  	[spmem:s1] =	stream.indirect.scatter.add.f32 [tilespmem:s12], [sflag:$0x1], $0x80, s14, s13, $0xb8;
	[tilespmem:$0x1A800] =	vst v63  }
0x25: {  	_ = 	snop  }
0x26: {  	[spmem:s1] =	stream.indirect.scatter.add.f32 [tilespmem:s12], [sflag:$0x1], $0x80, s15, s13, $0xb8;
	[tilespmem:$0x1A800] =	vst v63  }
0x27: {  	_ = 	snop  }
0x28: {  	[spmem:s1] =	stream.indirect.scatter.add.f32 [tilespmem:s12], [sflag:$0x1], $0x80, s16, s13, $0xb8;
	[tilespmem:$0x1A800] =	vst v63  }
0x29: {  	_ = 	snop  }
0x2a: {  	[spmem:s1] =	stream.indirect.scatter.add.f32 [tilespmem:s12], [sflag:$0x1], $0x80, s17, s13, $0xb8;
	[tilespmem:$0x1A800] =	vst v63  }
0x2b: {  	_ = 	snop  }
0x2c: {  	[spmem:s1] =	stream.indirect.scatter.add.f32 [tilespmem:s12], [sflag:$0x1], $0x80, s18, s13, $0xb8;
	[tilespmem:$0x1A800] =	vst v63  }
0x2d: {  	_ = 	snop  }
0x2e: {  	[spmem:s1] =	stream.indirect.scatter.add.f32 [tilespmem:s12], [sflag:$0x1], $0x80, s19, s13, $0xb8;
	[tilespmem:$0x1A800] =	vst v63  }
0x2f: {  	_ = 	snop  }
0x30: {  	[spmem:s1] =	stream.indirect.scatter.add.f32 [tilespmem:s12], [sflag:$0x1], $0x80, s20, s13, $0xb8;
	[tilespmem:$0x1A800] =	vst v63  }
0x31: {  	_ = 	snop  }
0x32: {  	[spmem:s1] =	stream.indirect.scatter.add.f32 [tilespmem:s12], [sflag:$0x1], $0x80, s21, s13, $0xb8;
	[tilespmem:$0x1A800] =	vst v63  }
0x33: {  	_ = 	snop  }
0x34: {  	[spmem:s1] =	stream.indirect.scatter.add.f32 [tilespmem:s12], [sflag:$0x1], $0x80, s22, s13, $0xb8;
	[tilespmem:$0x1A800] =	vst v63  }
0x35: {  	_ = 	snop  }
0x36: {  	[spmem:s1] =	stream.indirect.scatter.add.f32 [tilespmem:s12], [sflag:$0x1], $0x80, s23, s13, $0xb8;
	[tilespmem:$0x1A800] =	vst v63  }
0x37: {  	_ = 	snop  }
0x38: {  	[spmem:s1] =	stream.indirect.scatter.add.f32 [tilespmem:s12], [sflag:$0x1], $0x80, s24, s13, $0xb8;
	[tilespmem:$0x1A800] =	vst v63  }
0x39: {  	_ = 	snop  }
0x3a: {  	[spmem:s1] =	stream.indirect.scatter.add.f32 [tilespmem:s12], [sflag:$0x1], $0x80, s25, s13, $0xb8;
	[tilespmem:$0x1A800] =	vst v63  }
0x3b: {  	_ = 	snop  }
0x3c: {  	[spmem:s1] =	stream.indirect.scatter.add.f32 [tilespmem:s12], [sflag:$0x1], $0x80, s26, s13, $0xb8;
	[tilespmem:$0x1A800] =	vst v63  }
0x3d: {  	_ = 	snop  }
0x3e: {  	[spmem:s1] =	stream.indirect.scatter.add.f32 [tilespmem:s12], [sflag:$0x1], $0x80, s28, s13, $0xb8;
	[tilespmem:$0x1A800] =	vst v63  }
0x3f: {  	_ =	swait.ge [sflag:s29], $0x4000  }
0x40: {  	[sflag:s29] =	ssyncset.done $0x0  }
0x41: {  	s31 =	simm.s32 $0x200;
	s0 =	simm.s32 $0x800;
	[sflag:s29] =	ssyncadd.s32 $0xFFFFC000  }
.LBB2_2:
0x42: {  	[spmem:s1] =	stream.indirect.scatter.add.f32 [tilespmem:s12], [sflag:$0x1], $0x80, s0, s13, $0xb8;
	[tilespmem:$0x1A800] =	vst v63  }
0x43: {  	s0 =	smov.u32 s31;
	p0 =	sne.s32 s31, $0x7E00  }
.Ltmp0:
0x44: {  	s31 =	sadd.s32 $0x200, s31;
	(pc) =	sbr.rel @p0 .LBB2_2-.Ltmp0, $4  }
0x45: {  	_ = 	snop  }
0x46: {  	_ =	swait.ge [sflag:s29], $0x4000  }
0x47: {  	s0 =	sshra.s32 s0, $0x2;
	[sflag:s29] =	ssyncset.done $0x0  }
0x48: {  	s0 =	sadd.s32 $0x800, s0;
	[sflag:s29] =	ssyncadd.s32 $0xFFFFC000  }
0x49: {  	[spmem:s1] =	stream.indirect.scatter.add.f32 [tilespmem:s12], [sflag:$0x1], $0x80, s0, s13, $0xb8;
	[tilespmem:$0x1A800] =	vst v63  }
0x4a: {  	_ =	swait.ge [sflag:s29], $0x4000  }
0x4b: {  	[sflag:s29] =	ssyncset.done $0x0  }
0x4c: {  	[sflag:s29] =	ssyncadd.s32 $0xFFFFC000  }
0x4d: {  	_ =	swait.ge [sflag:s29], $0x4000  }
0x4e: {  	[sflag:s29] =	ssyncset.done $0x0  }
0x4f: {  	[sflag:s29] =	ssyncadd.s32 $0xFFFFC000  }
0x50: {  	_ =	swait.ge [sflag:s29], $0x4000  }
0x51: {  	[sflag:s29] =	ssyncset.done $0x0  }
0x52: {  	[sflag:s29] =	ssyncadd.s32 $0xFFFFC000  }
0x53: {  	_ =	swait.ge [sflag:s29], $0x4000  }
0x54: {  	[sflag:s29] =	ssyncset.done $0x0  }
0x55: {  	[sflag:s29] =	ssyncadd.s32 $0xFFFFC000  }
0x56: {  	_ =	swait.ge [sflag:s29], $0x4000  }
0x57: {  	[sflag:s29] =	ssyncset.done $0x0  }
0x58: {  	[sflag:s29] =	ssyncadd.s32 $0xFFFFC000  }
0x59: {  	_ =	swait.ge [sflag:s29], $0x4000  }
0x5a: {  	[sflag:s29] =	ssyncset.done $0x0  }
0x5b: {  	[sflag:s29] =	ssyncadd.s32 $0xFFFFC000  }
0x5c: {  	_ =	swait.ge [sflag:s29], $0x4000  }
0x5d: {  	[sflag:s29] =	ssyncset.done $0x0  }
0x5e: {  	[sflag:s29] =	ssyncadd.s32 $0xFFFFC000  }
0x5f: {  	_ =	swait.ge [sflag:s29], $0x4000  }
0x60: {  	[sflag:s29] =	ssyncset.done $0x0  }
0x61: {  	[sflag:s29] =	ssyncadd.s32 $0xFFFFC000  }
0x62: {  	_ =	swait.ge [sflag:s29], $0x4000  }
0x63: {  	[sflag:s29] =	ssyncset.done $0x0  }
0x64: {  	[sflag:s29] =	ssyncadd.s32 $0xFFFFC000  }
0x65: {  	_ =	swait.ge [sflag:s29], $0x4000  }
0x66: {  	[sflag:s29] =	ssyncset.done $0x0  }
0x67: {  	[sflag:s29] =	ssyncadd.s32 $0xFFFFC000  }
0x68: {  	_ =	swait.ge [sflag:s29], $0x4000  }
0x69: {  	[sflag:s29] =	ssyncset.done $0x0  }
0x6a: {  	[sflag:s29] =	ssyncadd.s32 $0xFFFFC000  }
0x6b: {  	_ =	swait.ge [sflag:s29], $0x4000  }
0x6c: {  	[sflag:s29] =	ssyncset.done $0x0  }
0x6d: {  	[sflag:s29] =	ssyncadd.s32 $0xFFFFC000  }
0x6e: {  	_ =	swait.ge [sflag:s29], $0x4000  }
0x6f: {  	[sflag:s29] =	ssyncset.done $0x0  }
0x70: {  	[sflag:s29] =	ssyncadd.s32 $0xFFFFC000  }
0x71: {  	_ =	swait.ge [sflag:s29], $0x4000  }
0x72: {  	[sflag:s29] =	ssyncset.done $0x0  }
0x73: {  	[sflag:s29] =	ssyncadd.s32 $0xFFFFC000  }
0x74: {  	_ =	swait.ge [sflag:s29], $0x4000  }
0x75: {  	[sflag:s29] =	ssyncset.done $0x0  }
0x76: {  	[sflag:s29] =	ssyncadd.s32 $0xFFFFC000  }
0x77: {  	_ =	swait.ge [sflag:s29], $0x4000  }
0x78: {  	s30 =	sadd.s32 $0x1, s30;
	[sflag:s29] =	ssyncset.done $0x0  }
0x79: {  	p0 =	sne.s32 s30, s9;
	[sflag:s29] =	ssyncadd.s32 $0xFFFFC000  }
.Ltmp1:
0x7a: {  	[bflag:$0x0] =	sbarrier.arrive $0xFFFF;
	(pc) =	sbr.rel @p0 .LBB2_1-.Ltmp1, $4  }
0x7b: {  	[hbm:s8], [sflag:s6] =	dma.local [spmem:s10], $0x2800  }
0x7c: {  	_ =	swait.ge [sflag:s11], $0x2800  }
0x7d: {  	[sflag:s11] =	ssyncset.done $0x0  }
0x7e: {  	[sflag:s11] =	ssyncadd.s32 $0xFFFFD800  }
0x7f: {  	_ =	sfence.sel $0x180000  }
0x80: {  	[bflag:$0x0] =	sbarrier.arrive $0xFFFF  }
0x81: {  	_ =	strace $0x90000047  }
0x82: {  	[bflag:$0x2] =	sbarrier.arrive $0xFFFF  }
0x83: {  	p0 =	sne.s32 s2, $0x0;
	s0 =	rddreg [dreg:$0x3]  }
0x84: {  	s0 =	sadd.s32 @!p0 $0x100000, s0  }
0x85: {  	[sflag:s0] =	ssyncadd.tile.s32 @!p0 $0x1;
	_ =	shalt  }
.Lfunc_end2:
_tile_overlayer_lowered:
.L_overlay_start_2:
0x86: {  	(tag) =	ssettag $0x2  }
0x87: {  	s0 =	rddreg [dreg:$0x0];
	s2 =	stileid.u32  }
0x88: {  	s1 =	rddreg [dreg:$0x1];
	p0 =	sne.s32 s2, $0x0  }
0x89: {  	s3 =	rddreg [dreg:$0x2];
	[bflag:$0x3] =	sbarrier.arrive $0xFFFF;
	s2 =	simm.s32 @!p0 $0x1C02  }
0x8a: {  	[timem:s3], [sflag:s2] =	dma.local @!p0 [hbm:s0], s1  }
0x8b: {  	s0 =	simm.s32 @!p0 $0x2  }
0x8c: {  	_ =	swait.ge @!p0 [sflag:s0], s1  }
0x8d: {  	s1 =	ssub.s32 @!p0 $0x0, s1;
	[sflag:s0] =	ssyncset.done @!p0 $0x0  }
0x8e: {  	[sflag:s0] =	ssyncadd.s32 @!p0 s1  }
0x8f: {  	[bflag:$0x3] =	sbarrier.arrive $0xFFFF  }
0x90: {  	_ =	shalt  }

</sc_bundles>
